<compile_context>
chip_gen: v7x
topology: tpu7x:2x2x1
jax: 0.10.2.dev20260603
libtpu: 0.0.44.dev20260713+nightly
codegen_flags: <defaults>
</compile_context>

<pallas_src>
import functools

import jax
import jax.numpy as jnp
from jax import lax
from jax.experimental import pallas as pl
from jax.experimental.pallas import tpu as pltpu
from jax.experimental.pallas import tpu_sc as plsc

_NEG = -1e9
_TINY = 1.1754943508222875e-38
_KS0 = 0x0
_KS1 = 0x2A
_KS2 = _KS0 ^ _KS1 ^ 0x1BD11BDA
_ROT_A = (13, 15, 26, 6)
_ROT_B = (17, 29, 16, 24)


def _rotl(x, d):
    return (x << jnp.uint32(d)) | (x >> jnp.uint32(32 - d))


def _threefry_rounds(x0, x1, rots):
    for r in rots:
        x0 = x0 + x1
        x1 = _rotl(x1, r)
        x1 = x0 ^ x1
    return x0, x1


def _threefry_bits(cnt_lo):
    ks0 = jnp.uint32(_KS0)
    ks1 = jnp.uint32(_KS1)
    ks2 = jnp.uint32(_KS2)
    x1i = cnt_lo + ks1
    x0 = x1i
    x1 = x0 ^ _rotl(x1i, _ROT_A[0])
    x0, x1 = _threefry_rounds(x0, x1, _ROT_A[1:])
    x0, x1 = x0 + ks1, x1 + ks2 + jnp.uint32(1)
    x0, x1 = _threefry_rounds(x0, x1, _ROT_B)
    x0, x1 = x0 + ks2, x1 + ks0 + jnp.uint32(2)
    x0, x1 = _threefry_rounds(x0, x1, _ROT_A)
    x0, x1 = x0 + ks0, x1 + ks1 + jnp.uint32(3)
    x0, x1 = _threefry_rounds(x0, x1, _ROT_B)
    x0, x1 = x0 + ks1, x1 + ks2 + jnp.uint32(4)
    x0, x1 = _threefry_rounds(x0, x1, _ROT_A)
    x0, x1 = x0 + ks2, x1 + ks0 + jnp.uint32(5)
    return x0 ^ x1


def _body(iota_ref, logits_ref, mask_ref, out_ref, *, vshift, blk_off):
    blk_r, v = logits_ref.shape
    logits = logits_ref[...]
    mask = mask_ref[...]
    masked = jnp.where(mask, logits, jnp.float32(_NEG))

    m = jnp.max(masked, axis=1, keepdims=True)
    s = jnp.sum(jnp.exp(masked - m), axis=1, keepdims=True)
    lse = m + jnp.log(s)

    base = (jnp.uint32(pl.program_id(0)) + jnp.uint32(blk_off)) * jnp.uint32(
        blk_r << vshift)
    cnt = iota_ref[...] + base
    bits = _threefry_bits(cnt)

    fb = (bits >> jnp.uint32(9)) | jnp.uint32(0x3F800000)
    f = jax.lax.bitcast_convert_type(fb, jnp.float32) - jnp.float32(1.0)
    u = f + jnp.float32(_TINY)
    g = -jnp.log(-jnp.log(u))

    y = g + masked
    ymax = jnp.max(y, axis=1, keepdims=True)
    val = jnp.max(jnp.where(y == ymax, masked, jnp.float32(-jnp.inf)),
                  axis=1, keepdims=True)
    out_ref[...] = val - lse



_SC_W = 32
_SC_RPW = 96
_SC_ROWS = _SC_W * _SC_RPW
_LN2 = 0.6931471805599453
_SQRT2 = 1.4142135623730951


def _sc_ln(x):
    bits = lax.bitcast_convert_type(x, jnp.int32)
    eb = (bits >> 23) & jnp.int32(0xFF)
    mb = (bits & jnp.int32(0x7FFFFF)) | jnp.int32(0x3F800000)
    m = lax.bitcast_convert_type(mb, jnp.float32)
    big = m >= jnp.float32(_SQRT2)
    m = jnp.where(big, m * jnp.float32(0.5), m)
    eb = jnp.where(big, eb + jnp.int32(1), eb)
    ef = lax.bitcast_convert_type(eb + jnp.int32(0x4B000000),
                                  jnp.float32) - jnp.float32(8388608.0 + 127.0)
    d = m + jnp.float32(1.0)
    q = lax.bitcast_convert_type(
        jnp.int32(0x7EF127EA) - lax.bitcast_convert_type(d, jnp.int32),
        jnp.float32)
    q = q * (jnp.float32(2.0) - d * q)
    q = q * (jnp.float32(2.0) - d * q)
    q = q * (jnp.float32(2.0) - d * q)
    r = (m - jnp.float32(1.0)) * q
    r2 = r * r
    p = jnp.float32(1.0 / 9.0)
    p = p * r2 + jnp.float32(1.0 / 7.0)
    p = p * r2 + jnp.float32(1.0 / 5.0)
    p = p * r2 + jnp.float32(1.0 / 3.0)
    p = p * r2 + jnp.float32(1.0)
    return ef * jnp.float32(_LN2) + (r + r) * p


def _sc_allreduce(x, lane, op):
    for k in (8, 4, 2, 1):
        y = x.at[lane ^ jnp.int32(k)].get(mode="promise_in_bounds")
        x = op(x, y)
    return x


def _sc_body(logits_hbm, maski_hbm, out_hbm, lbuf, mbuf, obuf):
    wid = lax.axis_index("s") * jnp.int32(2) + lax.axis_index("c")
    base = wid * jnp.int32(_SC_RPW)
    lane = lax.iota(jnp.int32, 16)
    lane_u = lax.bitcast_convert_type(lane, jnp.uint32)
    neg = jnp.full((16,), _NEG, jnp.float32)
    ninf = jnp.full((16,), -jnp.inf, jnp.float32)
    zf = jnp.zeros((16,), jnp.float32)
    zi = jnp.zeros((16,), jnp.int32)

    def row_step(r, res_vec):
        row = base + r
        pltpu.sync_copy(logits_hbm.at[row], lbuf)
        pltpu.sync_copy(maski_hbm.at[row], mbuf)

        def p1(c, m_acc):
            sl = pl.ds(c * 16, 16)
            msk = jnp.where(mbuf[sl] != 0, lbuf[sl], neg)
            lbuf[sl] = msk
            return jnp.maximum(m_acc, msk)

        m_acc = lax.fori_loop(0, 256, p1, neg)
        msplat = _sc_allreduce(m_acc, lane, jnp.maximum)
        cbase = lax.convert_element_type(row << 12, jnp.uint32)

        def p2(c, carry):
            s_acc, ym, il, vl = carry
            msk = lbuf[pl.ds(c * 16, 16)]
            s_acc = s_acc + jnp.exp(msk - msplat)
            cnt = jnp.full((16,), cbase + lax.convert_element_type(
                c * 16, jnp.uint32), jnp.uint32) + lane_u
            bits = _threefry_bits(cnt)
            fb = (bits >> jnp.uint32(9)) | jnp.uint32(0x3F800000)
            f = lax.bitcast_convert_type(fb, jnp.float32) - jnp.float32(1.0)
            u = f + jnp.float32(_TINY)
            g = -_sc_ln(-_sc_ln(u))
            y = g + msk
            upd = y > ym
            ym = jnp.where(upd, y, ym)
            il = jnp.where(upd, jnp.full((16,), c, jnp.int32), il)
            vl = jnp.where(upd, msk, vl)
            return s_acc, ym, il, vl

        s_acc, ym, il, vl = lax.fori_loop(0, 256, p2, (zf, ninf, zi, neg))
        srow = _sc_allreduce(s_acc, lane, jnp.add)
        lse = msplat + _sc_ln(srow)
        ymax = _sc_allreduce(ym, lane, jnp.maximum)
        eidx = il * jnp.int32(16) + lane
        cand = ym == ymax
        widx = _sc_allreduce(jnp.where(cand, eidx, jnp.int32(1 << 30)),
                             lane, jnp.minimum)
        val = _sc_allreduce(jnp.where(cand & (eidx == widx), vl, ninf),
                            lane, jnp.maximum)
        res = val - lse
        res_vec = jnp.where(lane == (r & 15), res, res_vec)
        obuf[pl.ds((r // 16) * 16, 16)] = res_vec
        return res_vec

    lax.fori_loop(0, _SC_RPW, row_step, zf)
    pltpu.sync_copy(obuf, out_hbm.at[pl.ds(base, _SC_RPW)])


def _sc_sample(logits, maski):
    mesh = plsc.VectorSubcoreMesh(core_axis_name="c", subcore_axis_name="s")
    return pl.kernel(
        _sc_body,
        mesh=mesh,
        out_type=jax.ShapeDtypeStruct((_SC_ROWS,), jnp.float32),
        scratch_types=[
            pltpu.VMEM((4096,), jnp.float32),
            pltpu.VMEM((4096,), jnp.int32),
            pltpu.VMEM((_SC_RPW,), jnp.float32),
        ],
    )(logits, maski)


def kernel(logits, mask):
    b, v = logits.shape
    assert (v & (v - 1)) == 0, "V must be a power of two"
    vshift = v.bit_length() - 1
    blk_r = 256 if b % 256 == 0 else b

    use_sc = v == 4096 and b % 256 == 0 and b > 2 * _SC_ROWS
    sc_rows = _SC_ROWS if use_sc else 0
    tc_rows = b - sc_rows
    blk_off = sc_rows // blk_r

    rowi = jax.lax.broadcasted_iota(jnp.uint32, (blk_r, v), 0)
    coli = jax.lax.broadcasted_iota(jnp.uint32, (blk_r, v), 1)
    blk_iota = (rowi << vshift) | coli

    out_tc = pl.pallas_call(
        functools.partial(_body, vshift=vshift, blk_off=blk_off),
        grid=(tc_rows // blk_r,),
        in_specs=[
            pl.BlockSpec((blk_r, v), lambda i: (0, 0)),
            pl.BlockSpec((blk_r, v), lambda i: (i + blk_off, 0)),
            pl.BlockSpec((blk_r, v), lambda i: (i + blk_off, 0)),
        ],
        out_specs=pl.BlockSpec((blk_r, 1), lambda i: (i, 0)),
        out_shape=jax.ShapeDtypeStruct((tc_rows, 1), jnp.float32),
    )(blk_iota, logits, mask)
    out_tc = out_tc.reshape(tc_rows)
    if not use_sc:
        return out_tc
    out_sc = _sc_sample(logits, mask[:_SC_ROWS].astype(jnp.int32))
    return jnp.concatenate([out_sc, out_tc])

# --- scband reference (transcript-rebuilt; emitter-appended) ---
"""Pipeline reference for scband-chess-nn-34780645163049 (READ-ONLY COPY).

The authoritative reference and input builder live on the scoring server;
editing this copy changes nothing except your own understanding.
"""

import jax, jax.numpy as jnp
import numpy as np

B, V = 16384, 4096  # V = 64*64 chess move space


def setup_inputs(seed: int = 0) -> dict:
    key = jax.random.key(seed)
    k1, k2 = jax.random.split(key)
    logits = jax.random.normal(k1, (B, V), dtype=jnp.float32)
    mask = jax.random.randint(k2, (B, V), 0, 2).astype(bool)
    return {"logits": logits, "mask": mask}


def reference(logits, mask):
    # tensor_to_move_distribution: masked_fill(~mask, -inf) then Categorical(logits=...)
    # use large negative instead of -inf for grad-safe masking (identical sampling/log_prob)
    neg = jnp.asarray(-1e9, dtype=logits.dtype)
    masked = jnp.where(mask, logits, neg)
    # Categorical normalizes logits: log_probs = logits - logsumexp(logits)
    log_probs = masked - jax.scipy.special.logsumexp(masked, axis=-1, keepdims=True)
    # distr.sample()
    skey = jax.random.key(42)
    actions = jax.random.categorical(skey, masked, axis=-1)
    # distr.log_prob(actions)
    log_prob = jnp.take_along_axis(log_probs, actions[:, None], axis=-1)[:, 0]
    return log_prob

if __name__ == "__main__":
    import jax
    _d = setup_inputs()
    print(jax.jit(kernel)(*tuple(_d.values())))

</pallas_src>

<mosaic_0001>
#map = affine_map<(d0, d1) -> (0, 0)>
#map1 = affine_map<(d0, d1) -> (0)>
module attributes {stable_mosaic.version = 14 : i64} {
  func.func @_sc_body(%arg0: i32, %arg1: i32, %arg2: memref<16384x4096xf32, #tpu.memory_space<hbm>>, %arg3: memref<3072x4096xi32, #tpu.memory_space<hbm>>, %arg4: memref<3072xf32, #tpu.memory_space<hbm>>, %arg5: memref<4096xf32, #tpu.memory_space<vmem>>, %arg6: memref<4096xi32, #tpu.memory_space<vmem>>, %arg7: memref<96xf32, #tpu.memory_space<vmem>>) attributes {dimension_semantics = [#tpu.dimension_semantics<core_parallel>, #tpu.dimension_semantics<subcore_parallel>], iteration_bounds = array<i64: 2, 16>, scalar_prefetch = 0 : i64, scratch_operands = 3 : i64, tpu.core_type = #tpu.core_type<sc_vector_subcore>, window_params = [{transform_indices = #map}, {transform_indices = #map}, {transform_indices = #map1}]} {
    %mul3A = arith.constant 2 : i32
    %mul3A_0 = arith.muli %arg1, %mul3A : i32
    %add3A = arith.addi %mul3A_0, %arg0 : i32
    %mul3A_1 = arith.constant 96 : i32
    %mul3A_2 = arith.muli %add3A, %mul3A_1 : i32
    %iota3A = tpu.iota {dimensions = array<i32: 0>} : vector<16xi32>
    %bitcast_convert_type3A = tpu.bitcast %iota3A : vector<16xi32> -> vector<16xi32>
    %broadcast_in_dim3A = arith.constant -1.000000e+09 : f32
    %broadcast_in_dim3A_3 = vector.broadcast %broadcast_in_dim3A : f32 to vector<16xf32>
    %broadcast_in_dim3A_4 = arith.constant 0xFF800000 : f32
    %broadcast_in_dim3A_5 = vector.broadcast %broadcast_in_dim3A_4 : f32 to vector<16xf32>
    %broadcast_in_dim3A_6 = arith.constant 0.000000e+00 : f32
    %broadcast_in_dim3A_7 = vector.broadcast %broadcast_in_dim3A_6 : f32 to vector<16xf32>
    %broadcast_in_dim3A_8 = arith.constant 0 : i32
    %broadcast_in_dim3A_9 = vector.broadcast %broadcast_in_dim3A_8 : i32 to vector<16xi32>
    %scan3A = arith.constant 0 : i32
    %scan3A_10 = arith.constant 96 : i32
    %scan3A_11 = arith.addi %scan3A, %scan3A_10 : i32
    %scan3A_12 = arith.constant 1 : i32
    %scan3A_13 = scf.for %scan3A_15 = %scan3A to %scan3A_11 step %scan3A_12 iter_args(%scan3A_16 = %broadcast_in_dim3A_7) -> (vector<16xf32>)  : i32 {
      %add3A_17 = arith.addi %mul3A_2, %scan3A_15 : i32
      "tpu.region"() ({
        %run_scoped3A = tpu.sem_alloc : memref<!tpu.dma_semaphore, #tpu.memory_space<semaphore_mem>>
        %dma_start3A = arith.constant 0 : i32
        %dma_start3A_425 = tpu.memref_slice %arg2[%add3A_17, %dma_start3A] : memref<16384x4096xf32, #tpu.memory_space<hbm>> -> memref<1x4096xf32, #tpu.memory_space<hbm>>
        %dma_start3A_426 = tpu.memref_squeeze %dma_start3A_425 : memref<1x4096xf32, #tpu.memory_space<hbm>> -> memref<4096xf32, #tpu.memory_space<hbm>>
        %dma_start3A_427 = arith.constant 0 : i32
        %dma_start3A_428 = tpu.memref_slice %arg2[%add3A_17, %dma_start3A_427] : memref<16384x4096xf32, #tpu.memory_space<hbm>> -> memref<1x4096xf32, #tpu.memory_space<hbm>>
        %dma_start3A_429 = tpu.memref_squeeze %dma_start3A_428 : memref<1x4096xf32, #tpu.memory_space<hbm>> -> memref<4096xf32, #tpu.memory_space<hbm>>
        tpu.enqueue_dma source(%dma_start3A_429 : memref<4096xf32, #tpu.memory_space<hbm>>) target(%arg5 : memref<4096xf32, #tpu.memory_space<vmem>>) target_semaphore(%run_scoped3A : memref<!tpu.dma_semaphore, #tpu.memory_space<semaphore_mem>>)
        %dma_wait3A = arith.constant 0 : i32
        %dma_wait3A_430 = tpu.memref_slice %arg2[%add3A_17, %dma_wait3A] : memref<16384x4096xf32, #tpu.memory_space<hbm>> -> memref<1x4096xf32, #tpu.memory_space<hbm>>
        %dma_wait3A_431 = tpu.memref_squeeze %dma_wait3A_430 : memref<1x4096xf32, #tpu.memory_space<hbm>> -> memref<4096xf32, #tpu.memory_space<hbm>>
        %dma_wait3A_432 = arith.constant 0 : i32
        %dma_wait3A_433 = tpu.memref_slice %arg2[%add3A_17, %dma_wait3A_432] : memref<16384x4096xf32, #tpu.memory_space<hbm>> -> memref<1x4096xf32, #tpu.memory_space<hbm>>
        %dma_wait3A_434 = tpu.memref_squeeze %dma_wait3A_433 : memref<1x4096xf32, #tpu.memory_space<hbm>> -> memref<4096xf32, #tpu.memory_space<hbm>>
        tpu.wait_dma2 semaphore(%run_scoped3A : memref<!tpu.dma_semaphore, #tpu.memory_space<semaphore_mem>>) src(%dma_wait3A_434 : memref<4096xf32, #tpu.memory_space<hbm>>) dst(%arg5 : memref<4096xf32, #tpu.memory_space<vmem>>)
        tpu.yield
      }) : () -> ()
      "tpu.region"() ({
        %run_scoped3A = tpu.sem_alloc : memref<!tpu.dma_semaphore, #tpu.memory_space<semaphore_mem>>
        %dma_start3A = arith.constant 0 : i32
        %dma_start3A_425 = tpu.memref_slice %arg3[%add3A_17, %dma_start3A] : memref<3072x4096xi32, #tpu.memory_space<hbm>> -> memref<1x4096xi32, #tpu.memory_space<hbm>>
        %dma_start3A_426 = tpu.memref_squeeze %dma_start3A_425 : memref<1x4096xi32, #tpu.memory_space<hbm>> -> memref<4096xi32, #tpu.memory_space<hbm>>
        %dma_start3A_427 = arith.constant 0 : i32
        %dma_start3A_428 = tpu.memref_slice %arg3[%add3A_17, %dma_start3A_427] : memref<3072x4096xi32, #tpu.memory_space<hbm>> -> memref<1x4096xi32, #tpu.memory_space<hbm>>
        %dma_start3A_429 = tpu.memref_squeeze %dma_start3A_428 : memref<1x4096xi32, #tpu.memory_space<hbm>> -> memref<4096xi32, #tpu.memory_space<hbm>>
        tpu.enqueue_dma source(%dma_start3A_429 : memref<4096xi32, #tpu.memory_space<hbm>>) target(%arg6 : memref<4096xi32, #tpu.memory_space<vmem>>) target_semaphore(%run_scoped3A : memref<!tpu.dma_semaphore, #tpu.memory_space<semaphore_mem>>)
        %dma_wait3A = arith.constant 0 : i32
        %dma_wait3A_430 = tpu.memref_slice %arg3[%add3A_17, %dma_wait3A] : memref<3072x4096xi32, #tpu.memory_space<hbm>> -> memref<1x4096xi32, #tpu.memory_space<hbm>>
        %dma_wait3A_431 = tpu.memref_squeeze %dma_wait3A_430 : memref<1x4096xi32, #tpu.memory_space<hbm>> -> memref<4096xi32, #tpu.memory_space<hbm>>
        %dma_wait3A_432 = arith.constant 0 : i32
        %dma_wait3A_433 = tpu.memref_slice %arg3[%add3A_17, %dma_wait3A_432] : memref<3072x4096xi32, #tpu.memory_space<hbm>> -> memref<1x4096xi32, #tpu.memory_space<hbm>>
        %dma_wait3A_434 = tpu.memref_squeeze %dma_wait3A_433 : memref<1x4096xi32, #tpu.memory_space<hbm>> -> memref<4096xi32, #tpu.memory_space<hbm>>
        tpu.wait_dma2 semaphore(%run_scoped3A : memref<!tpu.dma_semaphore, #tpu.memory_space<semaphore_mem>>) src(%dma_wait3A_434 : memref<4096xi32, #tpu.memory_space<hbm>>) dst(%arg6 : memref<4096xi32, #tpu.memory_space<vmem>>)
        tpu.yield
      }) : () -> ()
      %scan3A_18 = arith.constant 0 : i32
      %scan3A_19 = arith.constant 256 : i32
      %scan3A_20 = arith.addi %scan3A_18, %scan3A_19 : i32
      %scan3A_21 = arith.constant 1 : i32
      %scan3A_22 = scf.for %scan3A_425 = %scan3A_18 to %scan3A_20 step %scan3A_21 iter_args(%scan3A_426 = %broadcast_in_dim3A_3) -> (vector<16xf32>)  : i32 {
        %mul3A_427 = arith.constant 16 : i32
        %mul3A_428 = arith.muli %scan3A_425, %mul3A_427 : i32
        %get3A = arith.index_cast %mul3A_428 : i32 to index
        %get3A_429 = tpu.vector_load %arg6[%get3A] {strides = array<i32>} : memref<4096xi32, #tpu.memory_space<vmem>>, vector<16xi32>,
        %get3A_430 = vector.shape_cast %get3A_429 : vector<16xi32> to vector<16xi32>
        %ne3A_431 = arith.constant 0 : i32
        %ne3A_432 = vector.broadcast %ne3A_431 : i32 to vector<16xi32>
        %ne3A_433 = arith.cmpi ne, %get3A_430, %ne3A_432 : vector<16xi32>
        %get3A_434 = arith.index_cast %mul3A_428 : i32 to index
        %get3A_435 = tpu.vector_load %arg5[%get3A_434] {strides = array<i32>} : memref<4096xf32, #tpu.memory_space<vmem>>, vector<16xf32>,
        %get3A_436 = vector.shape_cast %get3A_435 : vector<16xf32> to vector<16xf32>
        %select_n3A_437 = arith.select %ne3A_433, %get3A_436, %broadcast_in_dim3A_3 : vector<16xi1>, vector<16xf32>
        %swap3A_438 = arith.index_cast %mul3A_428 : i32 to index
        %swap3A_439 = tpu.vector_load %arg5[%swap3A_438] {strides = array<i32>} : memref<4096xf32, #tpu.memory_space<vmem>>, vector<16xf32>,
        %swap3A_440 = vector.shape_cast %swap3A_439 : vector<16xf32> to vector<16xf32>
        %swap3A_441 = vector.shape_cast %select_n3A_437 : vector<16xf32> to vector<16xf32>
        tpu.vector_store %arg5[%swap3A_438], %swap3A_441 {strides = array<i32>} : memref<4096xf32, #tpu.memory_space<vmem>>, vector<16xf32>,
        %max3A_442 = arith.maximumf %scan3A_426, %select_n3A_437 : vector<16xf32>
        scf.yield %max3A_442 : vector<16xf32>
      }
      %scan3A_23 = arith.constant 256 : i32
      %xor3A = arith.constant 8 : i32
      %xor3A_24 = vector.broadcast %xor3A : i32 to vector<16xi32>
      %xor3A_25 = arith.xori %iota3A, %xor3A_24 : vector<16xi32>
      %lt3A = arith.constant 0 : i32
      %lt3A_26 = vector.broadcast %lt3A : i32 to vector<16xi32>
      %lt3A_27 = arith.cmpi slt, %xor3A_25, %lt3A_26 : vector<16xi32>
      %add3A_28 = arith.constant 16 : i32
      %add3A_29 = vector.broadcast %add3A_28 : i32 to vector<16xi32>
      %add3A_30 = arith.addi %xor3A_25, %add3A_29 : vector<16xi32>
      %select_n3A = arith.select %lt3A_27, %add3A_30, %xor3A_25 : vector<16xi1>, vector<16xi32>
      %broadcast_in_dim3A_31 = vector.shape_cast %select_n3A : vector<16xi32> to vector<16x1xi32>
      %gather3A = vector.shape_cast %broadcast_in_dim3A_31 : vector<16x1xi32> to vector<16xi32>
      %gather3A_32 = tpu.dynamic_gather %scan3A_22[%gather3A] in [0] : vector<16xf32>, vector<16xi32> -> vector<16xf32>
      %max3A = arith.maximumf %scan3A_22, %gather3A_32 : vector<16xf32>
      %xor3A_33 = arith.constant 4 : i32
      %xor3A_34 = vector.broadcast %xor3A_33 : i32 to vector<16xi32>
      %xor3A_35 = arith.xori %iota3A, %xor3A_34 : vector<16xi32>
      %lt3A_36 = arith.constant 0 : i32
      %lt3A_37 = vector.broadcast %lt3A_36 : i32 to vector<16xi32>
      %lt3A_38 = arith.cmpi slt, %xor3A_35, %lt3A_37 : vector<16xi32>
      %add3A_39 = arith.constant 16 : i32
      %add3A_40 = vector.broadcast %add3A_39 : i32 to vector<16xi32>
      %add3A_41 = arith.addi %xor3A_35, %add3A_40 : vector<16xi32>
      %select_n3A_42 = arith.select %lt3A_38, %add3A_41, %xor3A_35 : vector<16xi1>, vector<16xi32>
      %broadcast_in_dim3A_43 = vector.shape_cast %select_n3A_42 : vector<16xi32> to vector<16x1xi32>
      %gather3A_44 = vector.shape_cast %broadcast_in_dim3A_43 : vector<16x1xi32> to vector<16xi32>
      %gather3A_45 = tpu.dynamic_gather %max3A[%gather3A_44] in [0] : vector<16xf32>, vector<16xi32> -> vector<16xf32>
      %max3A_46 = arith.maximumf %max3A, %gather3A_45 : vector<16xf32>
      %xor3A_47 = arith.constant 2 : i32
      %xor3A_48 = vector.broadcast %xor3A_47 : i32 to vector<16xi32>
      %xor3A_49 = arith.xori %iota3A, %xor3A_48 : vector<16xi32>
      %lt3A_50 = arith.constant 0 : i32
      %lt3A_51 = vector.broadcast %lt3A_50 : i32 to vector<16xi32>
      %lt3A_52 = arith.cmpi slt, %xor3A_49, %lt3A_51 : vector<16xi32>
      %add3A_53 = arith.constant 16 : i32
      %add3A_54 = vector.broadcast %add3A_53 : i32 to vector<16xi32>
      %add3A_55 = arith.addi %xor3A_49, %add3A_54 : vector<16xi32>
      %select_n3A_56 = arith.select %lt3A_52, %add3A_55, %xor3A_49 : vector<16xi1>, vector<16xi32>
      %broadcast_in_dim3A_57 = vector.shape_cast %select_n3A_56 : vector<16xi32> to vector<16x1xi32>
      %gather3A_58 = vector.shape_cast %broadcast_in_dim3A_57 : vector<16x1xi32> to vector<16xi32>
      %gather3A_59 = tpu.dynamic_gather %max3A_46[%gather3A_58] in [0] : vector<16xf32>, vector<16xi32> -> vector<16xf32>
      %max3A_60 = arith.maximumf %max3A_46, %gather3A_59 : vector<16xf32>
      %xor3A_61 = arith.constant 1 : i32
      %xor3A_62 = vector.broadcast %xor3A_61 : i32 to vector<16xi32>
      %xor3A_63 = arith.xori %iota3A, %xor3A_62 : vector<16xi32>
      %lt3A_64 = arith.constant 0 : i32
      %lt3A_65 = vector.broadcast %lt3A_64 : i32 to vector<16xi32>
      %lt3A_66 = arith.cmpi slt, %xor3A_63, %lt3A_65 : vector<16xi32>
      %add3A_67 = arith.constant 16 : i32
      %add3A_68 = vector.broadcast %add3A_67 : i32 to vector<16xi32>
      %add3A_69 = arith.addi %xor3A_63, %add3A_68 : vector<16xi32>
      %select_n3A_70 = arith.select %lt3A_66, %add3A_69, %xor3A_63 : vector<16xi1>, vector<16xi32>
      %broadcast_in_dim3A_71 = vector.shape_cast %select_n3A_70 : vector<16xi32> to vector<16x1xi32>
      %gather3A_72 = vector.shape_cast %broadcast_in_dim3A_71 : vector<16x1xi32> to vector<16xi32>
      %gather3A_73 = tpu.dynamic_gather %max3A_60[%gather3A_72] in [0] : vector<16xf32>, vector<16xi32> -> vector<16xf32>
      %max3A_74 = arith.maximumf %max3A_60, %gather3A_73 : vector<16xf32>
      %shift_left3A = arith.constant 12 : i32
      %shift_left3A_75 = arith.shli %add3A_17, %shift_left3A : i32
      %scan3A_76 = arith.constant 0 : i32
      %scan3A_77 = arith.constant 256 : i32
      %scan3A_78 = arith.addi %scan3A_76, %scan3A_77 : i32
      %scan3A_79 = arith.constant 1 : i32
      %scan3A_80:4 = scf.for %scan3A_425 = %scan3A_76 to %scan3A_78 step %scan3A_79 iter_args(%scan3A_426 = %broadcast_in_dim3A_7, %scan3A_427 = %broadcast_in_dim3A_5, %scan3A_428 = %broadcast_in_dim3A_9, %scan3A_429 = %broadcast_in_dim3A_3) -> (vector<16xf32>, vector<16xf32>, vector<16xi32>, vector<16xf32>)  : i32 {
        %mul3A_430 = arith.constant 16 : i32
        %mul3A_431 = arith.muli %scan3A_425, %mul3A_430 : i32
        %get3A = arith.index_cast %mul3A_431 : i32 to index
        %get3A_432 = tpu.vector_load %arg5[%get3A] {strides = array<i32>} : memref<4096xf32, #tpu.memory_space<vmem>>, vector<16xf32>,
        %get3A_433 = vector.shape_cast %get3A_432 : vector<16xf32> to vector<16xf32>
        %sub3A_434 = arith.subf %get3A_433, %max3A_74 : vector<16xf32>
        %exp3A = math.exp %sub3A_434 : vector<16xf32>
        %add3A_435 = arith.addf %scan3A_426, %exp3A : vector<16xf32>
        %mul3A_436 = arith.constant 16 : i32
        %mul3A_437 = arith.muli %scan3A_425, %mul3A_436 : i32
        %add3A_438 = arith.addi %shift_left3A_75, %mul3A_437 : i32
        %broadcast_in_dim3A_439 = vector.broadcast %add3A_438 : i32 to vector<16xi32>
        %add3A_440 = arith.addi %broadcast_in_dim3A_439, %bitcast_convert_type3A : vector<16xi32>
        %add3A_441 = arith.constant 42 : i32
        %add3A_442 = vector.broadcast %add3A_441 : i32 to vector<16xi32>
        %add3A_443 = arith.addi %add3A_440, %add3A_442 : vector<16xi32>
        %shift_left3A_444 = arith.constant 13 : i32
        %shift_left3A_445 = vector.broadcast %shift_left3A_444 : i32 to vector<16xi32>
        %shift_left3A_446 = arith.shli %add3A_443, %shift_left3A_445 : vector<16xi32>
        %shift_right_logical3A = arith.constant 19 : i32
        %shift_right_logical3A_447 = vector.broadcast %shift_right_logical3A : i32 to vector<16xi32>
        %shift_right_logical3A_448 = arith.shrui %add3A_443, %shift_right_logical3A_447 : vector<16xi32>
        %or3A_449 = arith.ori %shift_left3A_446, %shift_right_logical3A_448 : vector<16xi32>
        %xor3A_450 = arith.xori %add3A_443, %or3A_449 : vector<16xi32>
        %add3A_451 = arith.addi %add3A_443, %xor3A_450 : vector<16xi32>
        %shift_left3A_452 = arith.constant 15 : i32
        %shift_left3A_453 = vector.broadcast %shift_left3A_452 : i32 to vector<16xi32>
        %shift_left3A_454 = arith.shli %xor3A_450, %shift_left3A_453 : vector<16xi32>
        %shift_right_logical3A_455 = arith.constant 17 : i32
        %shift_right_logical3A_456 = vector.broadcast %shift_right_logical3A_455 : i32 to vector<16xi32>
        %shift_right_logical3A_457 = arith.shrui %xor3A_450, %shift_right_logical3A_456 : vector<16xi32>
        %or3A_458 = arith.ori %shift_left3A_454, %shift_right_logical3A_457 : vector<16xi32>
        %xor3A_459 = arith.xori %add3A_451, %or3A_458 : vector<16xi32>
        %add3A_460 = arith.addi %add3A_451, %xor3A_459 : vector<16xi32>
        %shift_left3A_461 = arith.constant 26 : i32
        %shift_left3A_462 = vector.broadcast %shift_left3A_461 : i32 to vector<16xi32>
        %shift_left3A_463 = arith.shli %xor3A_459, %shift_left3A_462 : vector<16xi32>
        %shift_right_logical3A_464 = arith.constant 6 : i32
        %shift_right_logical3A_465 = vector.broadcast %shift_right_logical3A_464 : i32 to vector<16xi32>
        %shift_right_logical3A_466 = arith.shrui %xor3A_459, %shift_right_logical3A_465 : vector<16xi32>
        %or3A_467 = arith.ori %shift_left3A_463, %shift_right_logical3A_466 : vector<16xi32>
        %xor3A_468 = arith.xori %add3A_460, %or3A_467 : vector<16xi32>
        %add3A_469 = arith.addi %add3A_460, %xor3A_468 : vector<16xi32>
        %shift_left3A_470 = arith.constant 6 : i32
        %shift_left3A_471 = vector.broadcast %shift_left3A_470 : i32 to vector<16xi32>
        %shift_left3A_472 = arith.shli %xor3A_468, %shift_left3A_471 : vector<16xi32>
        %shift_right_logical3A_473 = arith.constant 26 : i32
        %shift_right_logical3A_474 = vector.broadcast %shift_right_logical3A_473 : i32 to vector<16xi32>
        %shift_right_logical3A_475 = arith.shrui %xor3A_468, %shift_right_logical3A_474 : vector<16xi32>
        %or3A_476 = arith.ori %shift_left3A_472, %shift_right_logical3A_475 : vector<16xi32>
        %xor3A_477 = arith.xori %add3A_469, %or3A_476 : vector<16xi32>
        %add3A_478 = arith.constant 42 : i32
        %add3A_479 = vector.broadcast %add3A_478 : i32 to vector<16xi32>
        %add3A_480 = arith.addi %add3A_469, %add3A_479 : vector<16xi32>
        %add3A_481 = arith.constant 466689008 : i32
        %add3A_482 = vector.broadcast %add3A_481 : i32 to vector<16xi32>
        %add3A_483 = arith.addi %xor3A_477, %add3A_482 : vector<16xi32>
        %add3A_484 = arith.constant 1 : i32
        %add3A_485 = vector.broadcast %add3A_484 : i32 to vector<16xi32>
        %add3A_486 = arith.addi %add3A_483, %add3A_485 : vector<16xi32>
        %add3A_487 = arith.addi %add3A_480, %add3A_486 : vector<16xi32>
        %shift_left3A_488 = arith.constant 17 : i32
        %shift_left3A_489 = vector.broadcast %shift_left3A_488 : i32 to vector<16xi32>
        %shift_left3A_490 = arith.shli %add3A_486, %shift_left3A_489 : vector<16xi32>
        %shift_right_logical3A_491 = arith.constant 15 : i32
        %shift_right_logical3A_492 = vector.broadcast %shift_right_logical3A_491 : i32 to vector<16xi32>
        %shift_right_logical3A_493 = arith.shrui %add3A_486, %shift_right_logical3A_492 : vector<16xi32>
        %or3A_494 = arith.ori %shift_left3A_490, %shift_right_logical3A_493 : vector<16xi32>
        %xor3A_495 = arith.xori %add3A_487, %or3A_494 : vector<16xi32>
        %add3A_496 = arith.addi %add3A_487, %xor3A_495 : vector<16xi32>
        %shift_left3A_497 = arith.constant 29 : i32
        %shift_left3A_498 = vector.broadcast %shift_left3A_497 : i32 to vector<16xi32>
        %shift_left3A_499 = arith.shli %xor3A_495, %shift_left3A_498 : vector<16xi32>
        %shift_right_logical3A_500 = arith.constant 3 : i32
        %shift_right_logical3A_501 = vector.broadcast %shift_right_logical3A_500 : i32 to vector<16xi32>
        %shift_right_logical3A_502 = arith.shrui %xor3A_495, %shift_right_logical3A_501 : vector<16xi32>
        %or3A_503 = arith.ori %shift_left3A_499, %shift_right_logical3A_502 : vector<16xi32>
        %xor3A_504 = arith.xori %add3A_496, %or3A_503 : vector<16xi32>
        %add3A_505 = arith.addi %add3A_496, %xor3A_504 : vector<16xi32>
        %shift_left3A_506 = arith.constant 16 : i32
        %shift_left3A_507 = vector.broadcast %shift_left3A_506 : i32 to vector<16xi32>
        %shift_left3A_508 = arith.shli %xor3A_504, %shift_left3A_507 : vector<16xi32>
        %shift_right_logical3A_509 = arith.constant 16 : i32
        %shift_right_logical3A_510 = vector.broadcast %shift_right_logical3A_509 : i32 to vector<16xi32>
        %shift_right_logical3A_511 = arith.shrui %xor3A_504, %shift_right_logical3A_510 : vector<16xi32>
        %or3A_512 = arith.ori %shift_left3A_508, %shift_right_logical3A_511 : vector<16xi32>
        %xor3A_513 = arith.xori %add3A_505, %or3A_512 : vector<16xi32>
        %add3A_514 = arith.addi %add3A_505, %xor3A_513 : vector<16xi32>
        %shift_left3A_515 = arith.constant 24 : i32
        %shift_left3A_516 = vector.broadcast %shift_left3A_515 : i32 to vector<16xi32>
        %shift_left3A_517 = arith.shli %xor3A_513, %shift_left3A_516 : vector<16xi32>
        %shift_right_logical3A_518 = arith.constant 8 : i32
        %shift_right_logical3A_519 = vector.broadcast %shift_right_logical3A_518 : i32 to vector<16xi32>
        %shift_right_logical3A_520 = arith.shrui %xor3A_513, %shift_right_logical3A_519 : vector<16xi32>
        %or3A_521 = arith.ori %shift_left3A_517, %shift_right_logical3A_520 : vector<16xi32>
        %xor3A_522 = arith.xori %add3A_514, %or3A_521 : vector<16xi32>
        %add3A_523 = arith.constant 466689008 : i32
        %add3A_524 = vector.broadcast %add3A_523 : i32 to vector<16xi32>
        %add3A_525 = arith.addi %add3A_514, %add3A_524 : vector<16xi32>
        %add3A_526 = arith.constant 0 : i32
        %add3A_527 = vector.broadcast %add3A_526 : i32 to vector<16xi32>
        %add3A_528 = arith.addi %xor3A_522, %add3A_527 : vector<16xi32>
        %add3A_529 = arith.constant 2 : i32
        %add3A_530 = vector.broadcast %add3A_529 : i32 to vector<16xi32>
        %add3A_531 = arith.addi %add3A_528, %add3A_530 : vector<16xi32>
        %add3A_532 = arith.addi %add3A_525, %add3A_531 : vector<16xi32>
        %shift_left3A_533 = arith.constant 13 : i32
        %shift_left3A_534 = vector.broadcast %shift_left3A_533 : i32 to vector<16xi32>
        %shift_left3A_535 = arith.shli %add3A_531, %shift_left3A_534 : vector<16xi32>
        %shift_right_logical3A_536 = arith.constant 19 : i32
        %shift_right_logical3A_537 = vector.broadcast %shift_right_logical3A_536 : i32 to vector<16xi32>
        %shift_right_logical3A_538 = arith.shrui %add3A_531, %shift_right_logical3A_537 : vector<16xi32>
        %or3A_539 = arith.ori %shift_left3A_535, %shift_right_logical3A_538 : vector<16xi32>
        %xor3A_540 = arith.xori %add3A_532, %or3A_539 : vector<16xi32>
        %add3A_541 = arith.addi %add3A_532, %xor3A_540 : vector<16xi32>
        %shift_left3A_542 = arith.constant 15 : i32
        %shift_left3A_543 = vector.broadcast %shift_left3A_542 : i32 to vector<16xi32>
        %shift_left3A_544 = arith.shli %xor3A_540, %shift_left3A_543 : vector<16xi32>
        %shift_right_logical3A_545 = arith.constant 17 : i32
        %shift_right_logical3A_546 = vector.broadcast %shift_right_logical3A_545 : i32 to vector<16xi32>
        %shift_right_logical3A_547 = arith.shrui %xor3A_540, %shift_right_logical3A_546 : vector<16xi32>
        %or3A_548 = arith.ori %shift_left3A_544, %shift_right_logical3A_547 : vector<16xi32>
        %xor3A_549 = arith.xori %add3A_541, %or3A_548 : vector<16xi32>
        %add3A_550 = arith.addi %add3A_541, %xor3A_549 : vector<16xi32>
        %shift_left3A_551 = arith.constant 26 : i32
        %shift_left3A_552 = vector.broadcast %shift_left3A_551 : i32 to vector<16xi32>
        %shift_left3A_553 = arith.shli %xor3A_549, %shift_left3A_552 : vector<16xi32>
        %shift_right_logical3A_554 = arith.constant 6 : i32
        %shift_right_logical3A_555 = vector.broadcast %shift_right_logical3A_554 : i32 to vector<16xi32>
        %shift_right_logical3A_556 = arith.shrui %xor3A_549, %shift_right_logical3A_555 : vector<16xi32>
        %or3A_557 = arith.ori %shift_left3A_553, %shift_right_logical3A_556 : vector<16xi32>
        %xor3A_558 = arith.xori %add3A_550, %or3A_557 : vector<16xi32>
        %add3A_559 = arith.addi %add3A_550, %xor3A_558 : vector<16xi32>
        %shift_left3A_560 = arith.constant 6 : i32
        %shift_left3A_561 = vector.broadcast %shift_left3A_560 : i32 to vector<16xi32>
        %shift_left3A_562 = arith.shli %xor3A_558, %shift_left3A_561 : vector<16xi32>
        %shift_right_logical3A_563 = arith.constant 26 : i32
        %shift_right_logical3A_564 = vector.broadcast %shift_right_logical3A_563 : i32 to vector<16xi32>
        %shift_right_logical3A_565 = arith.shrui %xor3A_558, %shift_right_logical3A_564 : vector<16xi32>
        %or3A_566 = arith.ori %shift_left3A_562, %shift_right_logical3A_565 : vector<16xi32>
        %xor3A_567 = arith.xori %add3A_559, %or3A_566 : vector<16xi32>
        %add3A_568 = arith.constant 0 : i32
        %add3A_569 = vector.broadcast %add3A_568 : i32 to vector<16xi32>
        %add3A_570 = arith.addi %add3A_559, %add3A_569 : vector<16xi32>
        %add3A_571 = arith.constant 42 : i32
        %add3A_572 = vector.broadcast %add3A_571 : i32 to vector<16xi32>
        %add3A_573 = arith.addi %xor3A_567, %add3A_572 : vector<16xi32>
        %add3A_574 = arith.constant 3 : i32
        %add3A_575 = vector.broadcast %add3A_574 : i32 to vector<16xi32>
        %add3A_576 = arith.addi %add3A_573, %add3A_575 : vector<16xi32>
        %add3A_577 = arith.addi %add3A_570, %add3A_576 : vector<16xi32>
        %shift_left3A_578 = arith.constant 17 : i32
        %shift_left3A_579 = vector.broadcast %shift_left3A_578 : i32 to vector<16xi32>
        %shift_left3A_580 = arith.shli %add3A_576, %shift_left3A_579 : vector<16xi32>
        %shift_right_logical3A_581 = arith.constant 15 : i32
        %shift_right_logical3A_582 = vector.broadcast %shift_right_logical3A_581 : i32 to vector<16xi32>
        %shift_right_logical3A_583 = arith.shrui %add3A_576, %shift_right_logical3A_582 : vector<16xi32>
        %or3A_584 = arith.ori %shift_left3A_580, %shift_right_logical3A_583 : vector<16xi32>
        %xor3A_585 = arith.xori %add3A_577, %or3A_584 : vector<16xi32>
        %add3A_586 = arith.addi %add3A_577, %xor3A_585 : vector<16xi32>
        %shift_left3A_587 = arith.constant 29 : i32
        %shift_left3A_588 = vector.broadcast %shift_left3A_587 : i32 to vector<16xi32>
        %shift_left3A_589 = arith.shli %xor3A_585, %shift_left3A_588 : vector<16xi32>
        %shift_right_logical3A_590 = arith.constant 3 : i32
        %shift_right_logical3A_591 = vector.broadcast %shift_right_logical3A_590 : i32 to vector<16xi32>
        %shift_right_logical3A_592 = arith.shrui %xor3A_585, %shift_right_logical3A_591 : vector<16xi32>
        %or3A_593 = arith.ori %shift_left3A_589, %shift_right_logical3A_592 : vector<16xi32>
        %xor3A_594 = arith.xori %add3A_586, %or3A_593 : vector<16xi32>
        %add3A_595 = arith.addi %add3A_586, %xor3A_594 : vector<16xi32>
        %shift_left3A_596 = arith.constant 16 : i32
        %shift_left3A_597 = vector.broadcast %shift_left3A_596 : i32 to vector<16xi32>
        %shift_left3A_598 = arith.shli %xor3A_594, %shift_left3A_597 : vector<16xi32>
        %shift_right_logical3A_599 = arith.constant 16 : i32
        %shift_right_logical3A_600 = vector.broadcast %shift_right_logical3A_599 : i32 to vector<16xi32>
        %shift_right_logical3A_601 = arith.shrui %xor3A_594, %shift_right_logical3A_600 : vector<16xi32>
        %or3A_602 = arith.ori %shift_left3A_598, %shift_right_logical3A_601 : vector<16xi32>
        %xor3A_603 = arith.xori %add3A_595, %or3A_602 : vector<16xi32>
        %add3A_604 = arith.addi %add3A_595, %xor3A_603 : vector<16xi32>
        %shift_left3A_605 = arith.constant 24 : i32
        %shift_left3A_606 = vector.broadcast %shift_left3A_605 : i32 to vector<16xi32>
        %shift_left3A_607 = arith.shli %xor3A_603, %shift_left3A_606 : vector<16xi32>
        %shift_right_logical3A_608 = arith.constant 8 : i32
        %shift_right_logical3A_609 = vector.broadcast %shift_right_logical3A_608 : i32 to vector<16xi32>
        %shift_right_logical3A_610 = arith.shrui %xor3A_603, %shift_right_logical3A_609 : vector<16xi32>
        %or3A_611 = arith.ori %shift_left3A_607, %shift_right_logical3A_610 : vector<16xi32>
        %xor3A_612 = arith.xori %add3A_604, %or3A_611 : vector<16xi32>
        %add3A_613 = arith.constant 42 : i32
        %add3A_614 = vector.broadcast %add3A_613 : i32 to vector<16xi32>
        %add3A_615 = arith.addi %add3A_604, %add3A_614 : vector<16xi32>
        %add3A_616 = arith.constant 466689008 : i32
        %add3A_617 = vector.broadcast %add3A_616 : i32 to vector<16xi32>
        %add3A_618 = arith.addi %xor3A_612, %add3A_617 : vector<16xi32>
        %add3A_619 = arith.constant 4 : i32
        %add3A_620 = vector.broadcast %add3A_619 : i32 to vector<16xi32>
        %add3A_621 = arith.addi %add3A_618, %add3A_620 : vector<16xi32>
        %add3A_622 = arith.addi %add3A_615, %add3A_621 : vector<16xi32>
        %shift_left3A_623 = arith.constant 13 : i32
        %shift_left3A_624 = vector.broadcast %shift_left3A_623 : i32 to vector<16xi32>
        %shift_left3A_625 = arith.shli %add3A_621, %shift_left3A_624 : vector<16xi32>
        %shift_right_logical3A_626 = arith.constant 19 : i32
        %shift_right_logical3A_627 = vector.broadcast %shift_right_logical3A_626 : i32 to vector<16xi32>
        %shift_right_logical3A_628 = arith.shrui %add3A_621, %shift_right_logical3A_627 : vector<16xi32>
        %or3A_629 = arith.ori %shift_left3A_625, %shift_right_logical3A_628 : vector<16xi32>
        %xor3A_630 = arith.xori %add3A_622, %or3A_629 : vector<16xi32>
        %add3A_631 = arith.addi %add3A_622, %xor3A_630 : vector<16xi32>
        %shift_left3A_632 = arith.constant 15 : i32
        %shift_left3A_633 = vector.broadcast %shift_left3A_632 : i32 to vector<16xi32>
        %shift_left3A_634 = arith.shli %xor3A_630, %shift_left3A_633 : vector<16xi32>
        %shift_right_logical3A_635 = arith.constant 17 : i32
        %shift_right_logical3A_636 = vector.broadcast %shift_right_logical3A_635 : i32 to vector<16xi32>
        %shift_right_logical3A_637 = arith.shrui %xor3A_630, %shift_right_logical3A_636 : vector<16xi32>
        %or3A_638 = arith.ori %shift_left3A_634, %shift_right_logical3A_637 : vector<16xi32>
        %xor3A_639 = arith.xori %add3A_631, %or3A_638 : vector<16xi32>
        %add3A_640 = arith.addi %add3A_631, %xor3A_639 : vector<16xi32>
        %shift_left3A_641 = arith.constant 26 : i32
        %shift_left3A_642 = vector.broadcast %shift_left3A_641 : i32 to vector<16xi32>
        %shift_left3A_643 = arith.shli %xor3A_639, %shift_left3A_642 : vector<16xi32>
        %shift_right_logical3A_644 = arith.constant 6 : i32
        %shift_right_logical3A_645 = vector.broadcast %shift_right_logical3A_644 : i32 to vector<16xi32>
        %shift_right_logical3A_646 = arith.shrui %xor3A_639, %shift_right_logical3A_645 : vector<16xi32>
        %or3A_647 = arith.ori %shift_left3A_643, %shift_right_logical3A_646 : vector<16xi32>
        %xor3A_648 = arith.xori %add3A_640, %or3A_647 : vector<16xi32>
        %add3A_649 = arith.addi %add3A_640, %xor3A_648 : vector<16xi32>
        %shift_left3A_650 = arith.constant 6 : i32
        %shift_left3A_651 = vector.broadcast %shift_left3A_650 : i32 to vector<16xi32>
        %shift_left3A_652 = arith.shli %xor3A_648, %shift_left3A_651 : vector<16xi32>
        %shift_right_logical3A_653 = arith.constant 26 : i32
        %shift_right_logical3A_654 = vector.broadcast %shift_right_logical3A_653 : i32 to vector<16xi32>
        %shift_right_logical3A_655 = arith.shrui %xor3A_648, %shift_right_logical3A_654 : vector<16xi32>
        %or3A_656 = arith.ori %shift_left3A_652, %shift_right_logical3A_655 : vector<16xi32>
        %xor3A_657 = arith.xori %add3A_649, %or3A_656 : vector<16xi32>
        %add3A_658 = arith.constant 466689008 : i32
        %add3A_659 = vector.broadcast %add3A_658 : i32 to vector<16xi32>
        %add3A_660 = arith.addi %add3A_649, %add3A_659 : vector<16xi32>
        %add3A_661 = arith.constant 0 : i32
        %add3A_662 = vector.broadcast %add3A_661 : i32 to vector<16xi32>
        %add3A_663 = arith.addi %xor3A_657, %add3A_662 : vector<16xi32>
        %add3A_664 = arith.constant 5 : i32
        %add3A_665 = vector.broadcast %add3A_664 : i32 to vector<16xi32>
        %add3A_666 = arith.addi %add3A_663, %add3A_665 : vector<16xi32>
        %xor3A_667 = arith.xori %add3A_660, %add3A_666 : vector<16xi32>
        %shift_right_logical3A_668 = arith.constant 9 : i32
        %shift_right_logical3A_669 = vector.broadcast %shift_right_logical3A_668 : i32 to vector<16xi32>
        %shift_right_logical3A_670 = arith.shrui %xor3A_667, %shift_right_logical3A_669 : vector<16xi32>
        %or3A_671 = arith.constant 1065353216 : i32
        %or3A_672 = vector.broadcast %or3A_671 : i32 to vector<16xi32>
        %or3A_673 = arith.ori %shift_right_logical3A_670, %or3A_672 : vector<16xi32>
        %bitcast_convert_type3A_674 = tpu.bitcast %or3A_673 : vector<16xi32> -> vector<16xf32>
        %sub3A_675 = arith.constant 1.000000e+00 : f32
        %sub3A_676 = vector.broadcast %sub3A_675 : f32 to vector<16xf32>
        %sub3A_677 = arith.subf %bitcast_convert_type3A_674, %sub3A_676 : vector<16xf32>
        %add3A_678 = arith.constant 1.17549435E-38 : f32
        %add3A_679 = vector.broadcast %add3A_678 : f32 to vector<16xf32>
        %add3A_680 = arith.addf %sub3A_677, %add3A_679 : vector<16xf32>
        %bitcast_convert_type3A_681 = tpu.bitcast %add3A_680 : vector<16xf32> -> vector<16xi32>
        %shift_right_arithmetic3A_682 = arith.constant 23 : i32
        %shift_right_arithmetic3A_683 = vector.broadcast %shift_right_arithmetic3A_682 : i32 to vector<16xi32>
        %shift_right_arithmetic3A_684 = arith.shrsi %bitcast_convert_type3A_681, %shift_right_arithmetic3A_683 : vector<16xi32>
        %and3A_685 = arith.constant 255 : i32
        %and3A_686 = vector.broadcast %and3A_685 : i32 to vector<16xi32>
        %and3A_687 = arith.andi %shift_right_arithmetic3A_684, %and3A_686 : vector<16xi32>
        %and3A_688 = arith.constant 8388607 : i32
        %and3A_689 = vector.broadcast %and3A_688 : i32 to vector<16xi32>
        %and3A_690 = arith.andi %bitcast_convert_type3A_681, %and3A_689 : vector<16xi32>
        %or3A_691 = arith.constant 1065353216 : i32
        %or3A_692 = vector.broadcast %or3A_691 : i32 to vector<16xi32>
        %or3A_693 = arith.ori %and3A_690, %or3A_692 : vector<16xi32>
        %bitcast_convert_type3A_694 = tpu.bitcast %or3A_693 : vector<16xi32> -> vector<16xf32>
        %ge3A_695 = arith.constant 1.41421354 : f32
        %ge3A_696 = vector.broadcast %ge3A_695 : f32 to vector<16xf32>
        %ge3A_697 = arith.cmpf oge, %bitcast_convert_type3A_694, %ge3A_696 : vector<16xf32>
        %mul3A_698 = arith.constant 5.000000e-01 : f32
        %mul3A_699 = vector.broadcast %mul3A_698 : f32 to vector<16xf32>
        %mul3A_700 = arith.mulf %bitcast_convert_type3A_694, %mul3A_699 : vector<16xf32>
        %select_n3A_701 = arith.select %ge3A_697, %mul3A_700, %bitcast_convert_type3A_694 : vector<16xi1>, vector<16xf32>
        %add3A_702 = arith.constant 1 : i32
        %add3A_703 = vector.broadcast %add3A_702 : i32 to vector<16xi32>
        %add3A_704 = arith.addi %and3A_687, %add3A_703 : vector<16xi32>
        %select_n3A_705 = arith.select %ge3A_697, %add3A_704, %and3A_687 : vector<16xi1>, vector<16xi32>
        %add3A_706 = arith.constant 1258291200 : i32
        %add3A_707 = vector.broadcast %add3A_706 : i32 to vector<16xi32>
        %add3A_708 = arith.addi %select_n3A_705, %add3A_707 : vector<16xi32>
        %bitcast_convert_type3A_709 = tpu.bitcast %add3A_708 : vector<16xi32> -> vector<16xf32>
        %sub3A_710 = arith.constant 0x4B00007F : f32
        %sub3A_711 = vector.broadcast %sub3A_710 : f32 to vector<16xf32>
        %sub3A_712 = arith.subf %bitcast_convert_type3A_709, %sub3A_711 : vector<16xf32>
        %add3A_713 = arith.constant 1.000000e+00 : f32
        %add3A_714 = vector.broadcast %add3A_713 : f32 to vector<16xf32>
        %add3A_715 = arith.addf %select_n3A_701, %add3A_714 : vector<16xf32>
        %bitcast_convert_type3A_716 = tpu.bitcast %add3A_715 : vector<16xf32> -> vector<16xi32>
        %sub3A_717 = arith.constant 2129733610 : i32
        %sub3A_718 = vector.broadcast %sub3A_717 : i32 to vector<16xi32>
        %sub3A_719 = arith.subi %sub3A_718, %bitcast_convert_type3A_716 : vector<16xi32>
        %bitcast_convert_type3A_720 = tpu.bitcast %sub3A_719 : vector<16xi32> -> vector<16xf32>
        %mul3A_721 = arith.mulf %add3A_715, %bitcast_convert_type3A_720 : vector<16xf32>
        %sub3A_722 = arith.constant 2.000000e+00 : f32
        %sub3A_723 = vector.broadcast %sub3A_722 : f32 to vector<16xf32>
        %sub3A_724 = arith.subf %sub3A_723, %mul3A_721 : vector<16xf32>
        %mul3A_725 = arith.mulf %bitcast_convert_type3A_720, %sub3A_724 : vector<16xf32>
        %mul3A_726 = arith.mulf %add3A_715, %mul3A_725 : vector<16xf32>
        %sub3A_727 = arith.constant 2.000000e+00 : f32
        %sub3A_728 = vector.broadcast %sub3A_727 : f32 to vector<16xf32>
        %sub3A_729 = arith.subf %sub3A_728, %mul3A_726 : vector<16xf32>
        %mul3A_730 = arith.mulf %mul3A_725, %sub3A_729 : vector<16xf32>
        %mul3A_731 = arith.mulf %add3A_715, %mul3A_730 : vector<16xf32>
        %sub3A_732 = arith.constant 2.000000e+00 : f32
        %sub3A_733 = vector.broadcast %sub3A_732 : f32 to vector<16xf32>
        %sub3A_734 = arith.subf %sub3A_733, %mul3A_731 : vector<16xf32>
        %mul3A_735 = arith.mulf %mul3A_730, %sub3A_734 : vector<16xf32>
        %sub3A_736 = arith.constant 1.000000e+00 : f32
        %sub3A_737 = vector.broadcast %sub3A_736 : f32 to vector<16xf32>
        %sub3A_738 = arith.subf %select_n3A_701, %sub3A_737 : vector<16xf32>
        %mul3A_739 = arith.mulf %sub3A_738, %mul3A_735 : vector<16xf32>
        %mul3A_740 = arith.mulf %mul3A_739, %mul3A_739 : vector<16xf32>
        %mul3A_741 = arith.constant 0.111111112 : f32
        %mul3A_742 = vector.broadcast %mul3A_741 : f32 to vector<16xf32>
        %mul3A_743 = arith.mulf %mul3A_742, %mul3A_740 : vector<16xf32>
        %add3A_744 = arith.constant 0.142857149 : f32
        %add3A_745 = vector.broadcast %add3A_744 : f32 to vector<16xf32>
        %add3A_746 = arith.addf %mul3A_743, %add3A_745 : vector<16xf32>
        %mul3A_747 = arith.mulf %add3A_746, %mul3A_740 : vector<16xf32>
        %add3A_748 = arith.constant 2.000000e-01 : f32
        %add3A_749 = vector.broadcast %add3A_748 : f32 to vector<16xf32>
        %add3A_750 = arith.addf %mul3A_747, %add3A_749 : vector<16xf32>
        %mul3A_751 = arith.mulf %add3A_750, %mul3A_740 : vector<16xf32>
        %add3A_752 = arith.constant 0.333333343 : f32
        %add3A_753 = vector.broadcast %add3A_752 : f32 to vector<16xf32>
        %add3A_754 = arith.addf %mul3A_751, %add3A_753 : vector<16xf32>
        %mul3A_755 = arith.mulf %add3A_754, %mul3A_740 : vector<16xf32>
        %add3A_756 = arith.constant 1.000000e+00 : f32
        %add3A_757 = vector.broadcast %add3A_756 : f32 to vector<16xf32>
        %add3A_758 = arith.addf %mul3A_755, %add3A_757 : vector<16xf32>
        %mul3A_759 = arith.constant 0.693147182 : f32
        %mul3A_760 = vector.broadcast %mul3A_759 : f32 to vector<16xf32>
        %mul3A_761 = arith.mulf %sub3A_712, %mul3A_760 : vector<16xf32>
        %add3A_762 = arith.addf %mul3A_739, %mul3A_739 : vector<16xf32>
        %mul3A_763 = arith.mulf %add3A_762, %add3A_758 : vector<16xf32>
        %add3A_764 = arith.addf %mul3A_761, %mul3A_763 : vector<16xf32>
        %neg3A = arith.constant 0.000000e+00 : f32
        %neg3A_765 = vector.broadcast %neg3A : f32 to vector<16xf32>
        %neg3A_766 = arith.subf %neg3A_765, %add3A_764 : vector<16xf32>
        %bitcast_convert_type3A_767 = tpu.bitcast %neg3A_766 : vector<16xf32> -> vector<16xi32>
        %shift_right_arithmetic3A_768 = arith.constant 23 : i32
        %shift_right_arithmetic3A_769 = vector.broadcast %shift_right_arithmetic3A_768 : i32 to vector<16xi32>
        %shift_right_arithmetic3A_770 = arith.shrsi %bitcast_convert_type3A_767, %shift_right_arithmetic3A_769 : vector<16xi32>
        %and3A_771 = arith.constant 255 : i32
        %and3A_772 = vector.broadcast %and3A_771 : i32 to vector<16xi32>
        %and3A_773 = arith.andi %shift_right_arithmetic3A_770, %and3A_772 : vector<16xi32>
        %and3A_774 = arith.constant 8388607 : i32
        %and3A_775 = vector.broadcast %and3A_774 : i32 to vector<16xi32>
        %and3A_776 = arith.andi %bitcast_convert_type3A_767, %and3A_775 : vector<16xi32>
        %or3A_777 = arith.constant 1065353216 : i32
        %or3A_778 = vector.broadcast %or3A_777 : i32 to vector<16xi32>
        %or3A_779 = arith.ori %and3A_776, %or3A_778 : vector<16xi32>
        %bitcast_convert_type3A_780 = tpu.bitcast %or3A_779 : vector<16xi32> -> vector<16xf32>
        %ge3A_781 = arith.constant 1.41421354 : f32
        %ge3A_782 = vector.broadcast %ge3A_781 : f32 to vector<16xf32>
        %ge3A_783 = arith.cmpf oge, %bitcast_convert_type3A_780, %ge3A_782 : vector<16xf32>
        %mul3A_784 = arith.constant 5.000000e-01 : f32
        %mul3A_785 = vector.broadcast %mul3A_784 : f32 to vector<16xf32>
        %mul3A_786 = arith.mulf %bitcast_convert_type3A_780, %mul3A_785 : vector<16xf32>
        %select_n3A_787 = arith.select %ge3A_783, %mul3A_786, %bitcast_convert_type3A_780 : vector<16xi1>, vector<16xf32>
        %add3A_788 = arith.constant 1 : i32
        %add3A_789 = vector.broadcast %add3A_788 : i32 to vector<16xi32>
        %add3A_790 = arith.addi %and3A_773, %add3A_789 : vector<16xi32>
        %select_n3A_791 = arith.select %ge3A_783, %add3A_790, %and3A_773 : vector<16xi1>, vector<16xi32>
        %add3A_792 = arith.constant 1258291200 : i32
        %add3A_793 = vector.broadcast %add3A_792 : i32 to vector<16xi32>
        %add3A_794 = arith.addi %select_n3A_791, %add3A_793 : vector<16xi32>
        %bitcast_convert_type3A_795 = tpu.bitcast %add3A_794 : vector<16xi32> -> vector<16xf32>
        %sub3A_796 = arith.constant 0x4B00007F : f32
        %sub3A_797 = vector.broadcast %sub3A_796 : f32 to vector<16xf32>
        %sub3A_798 = arith.subf %bitcast_convert_type3A_795, %sub3A_797 : vector<16xf32>
        %add3A_799 = arith.constant 1.000000e+00 : f32
        %add3A_800 = vector.broadcast %add3A_799 : f32 to vector<16xf32>
        %add3A_801 = arith.addf %select_n3A_787, %add3A_800 : vector<16xf32>
        %bitcast_convert_type3A_802 = tpu.bitcast %add3A_801 : vector<16xf32> -> vector<16xi32>
        %sub3A_803 = arith.constant 2129733610 : i32
        %sub3A_804 = vector.broadcast %sub3A_803 : i32 to vector<16xi32>
        %sub3A_805 = arith.subi %sub3A_804, %bitcast_convert_type3A_802 : vector<16xi32>
        %bitcast_convert_type3A_806 = tpu.bitcast %sub3A_805 : vector<16xi32> -> vector<16xf32>
        %mul3A_807 = arith.mulf %add3A_801, %bitcast_convert_type3A_806 : vector<16xf32>
        %sub3A_808 = arith.constant 2.000000e+00 : f32
        %sub3A_809 = vector.broadcast %sub3A_808 : f32 to vector<16xf32>
        %sub3A_810 = arith.subf %sub3A_809, %mul3A_807 : vector<16xf32>
        %mul3A_811 = arith.mulf %bitcast_convert_type3A_806, %sub3A_810 : vector<16xf32>
        %mul3A_812 = arith.mulf %add3A_801, %mul3A_811 : vector<16xf32>
        %sub3A_813 = arith.constant 2.000000e+00 : f32
        %sub3A_814 = vector.broadcast %sub3A_813 : f32 to vector<16xf32>
        %sub3A_815 = arith.subf %sub3A_814, %mul3A_812 : vector<16xf32>
        %mul3A_816 = arith.mulf %mul3A_811, %sub3A_815 : vector<16xf32>
        %mul3A_817 = arith.mulf %add3A_801, %mul3A_816 : vector<16xf32>
        %sub3A_818 = arith.constant 2.000000e+00 : f32
        %sub3A_819 = vector.broadcast %sub3A_818 : f32 to vector<16xf32>
        %sub3A_820 = arith.subf %sub3A_819, %mul3A_817 : vector<16xf32>
        %mul3A_821 = arith.mulf %mul3A_816, %sub3A_820 : vector<16xf32>
        %sub3A_822 = arith.constant 1.000000e+00 : f32
        %sub3A_823 = vector.broadcast %sub3A_822 : f32 to vector<16xf32>
        %sub3A_824 = arith.subf %select_n3A_787, %sub3A_823 : vector<16xf32>
        %mul3A_825 = arith.mulf %sub3A_824, %mul3A_821 : vector<16xf32>
        %mul3A_826 = arith.mulf %mul3A_825, %mul3A_825 : vector<16xf32>
        %mul3A_827 = arith.constant 0.111111112 : f32
        %mul3A_828 = vector.broadcast %mul3A_827 : f32 to vector<16xf32>
        %mul3A_829 = arith.mulf %mul3A_828, %mul3A_826 : vector<16xf32>
        %add3A_830 = arith.constant 0.142857149 : f32
        %add3A_831 = vector.broadcast %add3A_830 : f32 to vector<16xf32>
        %add3A_832 = arith.addf %mul3A_829, %add3A_831 : vector<16xf32>
        %mul3A_833 = arith.mulf %add3A_832, %mul3A_826 : vector<16xf32>
        %add3A_834 = arith.constant 2.000000e-01 : f32
        %add3A_835 = vector.broadcast %add3A_834 : f32 to vector<16xf32>
        %add3A_836 = arith.addf %mul3A_833, %add3A_835 : vector<16xf32>
        %mul3A_837 = arith.mulf %add3A_836, %mul3A_826 : vector<16xf32>
        %add3A_838 = arith.constant 0.333333343 : f32
        %add3A_839 = vector.broadcast %add3A_838 : f32 to vector<16xf32>
        %add3A_840 = arith.addf %mul3A_837, %add3A_839 : vector<16xf32>
        %mul3A_841 = arith.mulf %add3A_840, %mul3A_826 : vector<16xf32>
        %add3A_842 = arith.constant 1.000000e+00 : f32
        %add3A_843 = vector.broadcast %add3A_842 : f32 to vector<16xf32>
        %add3A_844 = arith.addf %mul3A_841, %add3A_843 : vector<16xf32>
        %mul3A_845 = arith.constant 0.693147182 : f32
        %mul3A_846 = vector.broadcast %mul3A_845 : f32 to vector<16xf32>
        %mul3A_847 = arith.mulf %sub3A_798, %mul3A_846 : vector<16xf32>
        %add3A_848 = arith.addf %mul3A_825, %mul3A_825 : vector<16xf32>
        %mul3A_849 = arith.mulf %add3A_848, %add3A_844 : vector<16xf32>
        %add3A_850 = arith.addf %mul3A_847, %mul3A_849 : vector<16xf32>
        %neg3A_851 = arith.constant 0.000000e+00 : f32
        %neg3A_852 = vector.broadcast %neg3A_851 : f32 to vector<16xf32>
        %neg3A_853 = arith.subf %neg3A_852, %add3A_850 : vector<16xf32>
        %add3A_854 = arith.addf %neg3A_853, %get3A_433 : vector<16xf32>
        %gt3A = arith.cmpf ogt, %add3A_854, %scan3A_427 : vector<16xf32>
        %select_n3A_855 = arith.select %gt3A, %add3A_854, %scan3A_427 : vector<16xi1>, vector<16xf32>
        %broadcast_in_dim3A_856 = vector.broadcast %scan3A_425 : i32 to vector<16xi32>
        %select_n3A_857 = arith.select %gt3A, %broadcast_in_dim3A_856, %scan3A_428 : vector<16xi1>, vector<16xi32>
        %select_n3A_858 = arith.select %gt3A, %get3A_433, %scan3A_429 : vector<16xi1>, vector<16xf32>
        scf.yield %add3A_435, %select_n3A_855, %select_n3A_857, %select_n3A_858 : vector<16xf32>, vector<16xf32>, vector<16xi32>, vector<16xf32>
      }
      %scan3A_81 = arith.constant 256 : i32
      %xor3A_82 = arith.constant 8 : i32
      %xor3A_83 = vector.broadcast %xor3A_82 : i32 to vector<16xi32>
      %xor3A_84 = arith.xori %iota3A, %xor3A_83 : vector<16xi32>
      %lt3A_85 = arith.constant 0 : i32
      %lt3A_86 = vector.broadcast %lt3A_85 : i32 to vector<16xi32>
      %lt3A_87 = arith.cmpi slt, %xor3A_84, %lt3A_86 : vector<16xi32>
      %add3A_88 = arith.constant 16 : i32
      %add3A_89 = vector.broadcast %add3A_88 : i32 to vector<16xi32>
      %add3A_90 = arith.addi %xor3A_84, %add3A_89 : vector<16xi32>
      %select_n3A_91 = arith.select %lt3A_87, %add3A_90, %xor3A_84 : vector<16xi1>, vector<16xi32>
      %broadcast_in_dim3A_92 = vector.shape_cast %select_n3A_91 : vector<16xi32> to vector<16x1xi32>
      %gather3A_93 = vector.shape_cast %broadcast_in_dim3A_92 : vector<16x1xi32> to vector<16xi32>
      %gather3A_94 = tpu.dynamic_gather %scan3A_80#0[%gather3A_93] in [0] : vector<16xf32>, vector<16xi32> -> vector<16xf32>
      %add3A_95 = arith.addf %scan3A_80#0, %gather3A_94 : vector<16xf32>
      %xor3A_96 = arith.constant 4 : i32
      %xor3A_97 = vector.broadcast %xor3A_96 : i32 to vector<16xi32>
      %xor3A_98 = arith.xori %iota3A, %xor3A_97 : vector<16xi32>
      %lt3A_99 = arith.constant 0 : i32
      %lt3A_100 = vector.broadcast %lt3A_99 : i32 to vector<16xi32>
      %lt3A_101 = arith.cmpi slt, %xor3A_98, %lt3A_100 : vector<16xi32>
      %add3A_102 = arith.constant 16 : i32
      %add3A_103 = vector.broadcast %add3A_102 : i32 to vector<16xi32>
      %add3A_104 = arith.addi %xor3A_98, %add3A_103 : vector<16xi32>
      %select_n3A_105 = arith.select %lt3A_101, %add3A_104, %xor3A_98 : vector<16xi1>, vector<16xi32>
      %broadcast_in_dim3A_106 = vector.shape_cast %select_n3A_105 : vector<16xi32> to vector<16x1xi32>
      %gather3A_107 = vector.shape_cast %broadcast_in_dim3A_106 : vector<16x1xi32> to vector<16xi32>
      %gather3A_108 = tpu.dynamic_gather %add3A_95[%gather3A_107] in [0] : vector<16xf32>, vector<16xi32> -> vector<16xf32>
      %add3A_109 = arith.addf %add3A_95, %gather3A_108 : vector<16xf32>
      %xor3A_110 = arith.constant 2 : i32
      %xor3A_111 = vector.broadcast %xor3A_110 : i32 to vector<16xi32>
      %xor3A_112 = arith.xori %iota3A, %xor3A_111 : vector<16xi32>
      %lt3A_113 = arith.constant 0 : i32
      %lt3A_114 = vector.broadcast %lt3A_113 : i32 to vector<16xi32>
      %lt3A_115 = arith.cmpi slt, %xor3A_112, %lt3A_114 : vector<16xi32>
      %add3A_116 = arith.constant 16 : i32
      %add3A_117 = vector.broadcast %add3A_116 : i32 to vector<16xi32>
      %add3A_118 = arith.addi %xor3A_112, %add3A_117 : vector<16xi32>
      %select_n3A_119 = arith.select %lt3A_115, %add3A_118, %xor3A_112 : vector<16xi1>, vector<16xi32>
      %broadcast_in_dim3A_120 = vector.shape_cast %select_n3A_119 : vector<16xi32> to vector<16x1xi32>
      %gather3A_121 = vector.shape_cast %broadcast_in_dim3A_120 : vector<16x1xi32> to vector<16xi32>
      %gather3A_122 = tpu.dynamic_gather %add3A_109[%gather3A_121] in [0] : vector<16xf32>, vector<16xi32> -> vector<16xf32>
      %add3A_123 = arith.addf %add3A_109, %gather3A_122 : vector<16xf32>
      %xor3A_124 = arith.constant 1 : i32
      %xor3A_125 = vector.broadcast %xor3A_124 : i32 to vector<16xi32>
      %xor3A_126 = arith.xori %iota3A, %xor3A_125 : vector<16xi32>
      %lt3A_127 = arith.constant 0 : i32
      %lt3A_128 = vector.broadcast %lt3A_127 : i32 to vector<16xi32>
      %lt3A_129 = arith.cmpi slt, %xor3A_126, %lt3A_128 : vector<16xi32>
      %add3A_130 = arith.constant 16 : i32
      %add3A_131 = vector.broadcast %add3A_130 : i32 to vector<16xi32>
      %add3A_132 = arith.addi %xor3A_126, %add3A_131 : vector<16xi32>
      %select_n3A_133 = arith.select %lt3A_129, %add3A_132, %xor3A_126 : vector<16xi1>, vector<16xi32>
      %broadcast_in_dim3A_134 = vector.shape_cast %select_n3A_133 : vector<16xi32> to vector<16x1xi32>
      %gather3A_135 = vector.shape_cast %broadcast_in_dim3A_134 : vector<16x1xi32> to vector<16xi32>
      %gather3A_136 = tpu.dynamic_gather %add3A_123[%gather3A_135] in [0] : vector<16xf32>, vector<16xi32> -> vector<16xf32>
      %add3A_137 = arith.addf %add3A_123, %gather3A_136 : vector<16xf32>
      %bitcast_convert_type3A_138 = tpu.bitcast %add3A_137 : vector<16xf32> -> vector<16xi32>
      %shift_right_arithmetic3A = arith.constant 23 : i32
      %shift_right_arithmetic3A_139 = vector.broadcast %shift_right_arithmetic3A : i32 to vector<16xi32>
      %shift_right_arithmetic3A_140 = arith.shrsi %bitcast_convert_type3A_138, %shift_right_arithmetic3A_139 : vector<16xi32>
      %and3A = arith.constant 255 : i32
      %and3A_141 = vector.broadcast %and3A : i32 to vector<16xi32>
      %and3A_142 = arith.andi %shift_right_arithmetic3A_140, %and3A_141 : vector<16xi32>
      %and3A_143 = arith.constant 8388607 : i32
      %and3A_144 = vector.broadcast %and3A_143 : i32 to vector<16xi32>
      %and3A_145 = arith.andi %bitcast_convert_type3A_138, %and3A_144 : vector<16xi32>
      %or3A = arith.constant 1065353216 : i32
      %or3A_146 = vector.broadcast %or3A : i32 to vector<16xi32>
      %or3A_147 = arith.ori %and3A_145, %or3A_146 : vector<16xi32>
      %bitcast_convert_type3A_148 = tpu.bitcast %or3A_147 : vector<16xi32> -> vector<16xf32>
      %ge3A = arith.constant 1.41421354 : f32
      %ge3A_149 = vector.broadcast %ge3A : f32 to vector<16xf32>
      %ge3A_150 = arith.cmpf oge, %bitcast_convert_type3A_148, %ge3A_149 : vector<16xf32>
      %mul3A_151 = arith.constant 5.000000e-01 : f32
      %mul3A_152 = vector.broadcast %mul3A_151 : f32 to vector<16xf32>
      %mul3A_153 = arith.mulf %bitcast_convert_type3A_148, %mul3A_152 : vector<16xf32>
      %select_n3A_154 = arith.select %ge3A_150, %mul3A_153, %bitcast_convert_type3A_148 : vector<16xi1>, vector<16xf32>
      %add3A_155 = arith.constant 1 : i32
      %add3A_156 = vector.broadcast %add3A_155 : i32 to vector<16xi32>
      %add3A_157 = arith.addi %and3A_142, %add3A_156 : vector<16xi32>
      %select_n3A_158 = arith.select %ge3A_150, %add3A_157, %and3A_142 : vector<16xi1>, vector<16xi32>
      %add3A_159 = arith.constant 1258291200 : i32
      %add3A_160 = vector.broadcast %add3A_159 : i32 to vector<16xi32>
      %add3A_161 = arith.addi %select_n3A_158, %add3A_160 : vector<16xi32>
      %bitcast_convert_type3A_162 = tpu.bitcast %add3A_161 : vector<16xi32> -> vector<16xf32>
      %sub3A = arith.constant 0x4B00007F : f32
      %sub3A_163 = vector.broadcast %sub3A : f32 to vector<16xf32>
      %sub3A_164 = arith.subf %bitcast_convert_type3A_162, %sub3A_163 : vector<16xf32>
      %add3A_165 = arith.constant 1.000000e+00 : f32
      %add3A_166 = vector.broadcast %add3A_165 : f32 to vector<16xf32>
      %add3A_167 = arith.addf %select_n3A_154, %add3A_166 : vector<16xf32>
      %bitcast_convert_type3A_168 = tpu.bitcast %add3A_167 : vector<16xf32> -> vector<16xi32>
      %sub3A_169 = arith.constant 2129733610 : i32
      %sub3A_170 = vector.broadcast %sub3A_169 : i32 to vector<16xi32>
      %sub3A_171 = arith.subi %sub3A_170, %bitcast_convert_type3A_168 : vector<16xi32>
      %bitcast_convert_type3A_172 = tpu.bitcast %sub3A_171 : vector<16xi32> -> vector<16xf32>
      %mul3A_173 = arith.mulf %add3A_167, %bitcast_convert_type3A_172 : vector<16xf32>
      %sub3A_174 = arith.constant 2.000000e+00 : f32
      %sub3A_175 = vector.broadcast %sub3A_174 : f32 to vector<16xf32>
      %sub3A_176 = arith.subf %sub3A_175, %mul3A_173 : vector<16xf32>
      %mul3A_177 = arith.mulf %bitcast_convert_type3A_172, %sub3A_176 : vector<16xf32>
      %mul3A_178 = arith.mulf %add3A_167, %mul3A_177 : vector<16xf32>
      %sub3A_179 = arith.constant 2.000000e+00 : f32
      %sub3A_180 = vector.broadcast %sub3A_179 : f32 to vector<16xf32>
      %sub3A_181 = arith.subf %sub3A_180, %mul3A_178 : vector<16xf32>
      %mul3A_182 = arith.mulf %mul3A_177, %sub3A_181 : vector<16xf32>
      %mul3A_183 = arith.mulf %add3A_167, %mul3A_182 : vector<16xf32>
      %sub3A_184 = arith.constant 2.000000e+00 : f32
      %sub3A_185 = vector.broadcast %sub3A_184 : f32 to vector<16xf32>
      %sub3A_186 = arith.subf %sub3A_185, %mul3A_183 : vector<16xf32>
      %mul3A_187 = arith.mulf %mul3A_182, %sub3A_186 : vector<16xf32>
      %sub3A_188 = arith.constant 1.000000e+00 : f32
      %sub3A_189 = vector.broadcast %sub3A_188 : f32 to vector<16xf32>
      %sub3A_190 = arith.subf %select_n3A_154, %sub3A_189 : vector<16xf32>
      %mul3A_191 = arith.mulf %sub3A_190, %mul3A_187 : vector<16xf32>
      %mul3A_192 = arith.mulf %mul3A_191, %mul3A_191 : vector<16xf32>
      %mul3A_193 = arith.constant 0.111111112 : f32
      %mul3A_194 = vector.broadcast %mul3A_193 : f32 to vector<16xf32>
      %mul3A_195 = arith.mulf %mul3A_194, %mul3A_192 : vector<16xf32>
      %add3A_196 = arith.constant 0.142857149 : f32
      %add3A_197 = vector.broadcast %add3A_196 : f32 to vector<16xf32>
      %add3A_198 = arith.addf %mul3A_195, %add3A_197 : vector<16xf32>
      %mul3A_199 = arith.mulf %add3A_198, %mul3A_192 : vector<16xf32>
      %add3A_200 = arith.constant 2.000000e-01 : f32
      %add3A_201 = vector.broadcast %add3A_200 : f32 to vector<16xf32>
      %add3A_202 = arith.addf %mul3A_199, %add3A_201 : vector<16xf32>
      %mul3A_203 = arith.mulf %add3A_202, %mul3A_192 : vector<16xf32>
      %add3A_204 = arith.constant 0.333333343 : f32
      %add3A_205 = vector.broadcast %add3A_204 : f32 to vector<16xf32>
      %add3A_206 = arith.addf %mul3A_203, %add3A_205 : vector<16xf32>
      %mul3A_207 = arith.mulf %add3A_206, %mul3A_192 : vector<16xf32>
      %add3A_208 = arith.constant 1.000000e+00 : f32
      %add3A_209 = vector.broadcast %add3A_208 : f32 to vector<16xf32>
      %add3A_210 = arith.addf %mul3A_207, %add3A_209 : vector<16xf32>
      %mul3A_211 = arith.constant 0.693147182 : f32
      %mul3A_212 = vector.broadcast %mul3A_211 : f32 to vector<16xf32>
      %mul3A_213 = arith.mulf %sub3A_164, %mul3A_212 : vector<16xf32>
      %add3A_214 = arith.addf %mul3A_191, %mul3A_191 : vector<16xf32>
      %mul3A_215 = arith.mulf %add3A_214, %add3A_210 : vector<16xf32>
      %add3A_216 = arith.addf %mul3A_213, %mul3A_215 : vector<16xf32>
      %add3A_217 = arith.addf %max3A_74, %add3A_216 : vector<16xf32>
      %xor3A_218 = arith.constant 8 : i32
      %xor3A_219 = vector.broadcast %xor3A_218 : i32 to vector<16xi32>
      %xor3A_220 = arith.xori %iota3A, %xor3A_219 : vector<16xi32>
      %lt3A_221 = arith.constant 0 : i32
      %lt3A_222 = vector.broadcast %lt3A_221 : i32 to vector<16xi32>
      %lt3A_223 = arith.cmpi slt, %xor3A_220, %lt3A_222 : vector<16xi32>
      %add3A_224 = arith.constant 16 : i32
      %add3A_225 = vector.broadcast %add3A_224 : i32 to vector<16xi32>
      %add3A_226 = arith.addi %xor3A_220, %add3A_225 : vector<16xi32>
      %select_n3A_227 = arith.select %lt3A_223, %add3A_226, %xor3A_220 : vector<16xi1>, vector<16xi32>
      %broadcast_in_dim3A_228 = vector.shape_cast %select_n3A_227 : vector<16xi32> to vector<16x1xi32>
      %gather3A_229 = vector.shape_cast %broadcast_in_dim3A_228 : vector<16x1xi32> to vector<16xi32>
      %gather3A_230 = tpu.dynamic_gather %scan3A_80#1[%gather3A_229] in [0] : vector<16xf32>, vector<16xi32> -> vector<16xf32>
      %max3A_231 = arith.maximumf %scan3A_80#1, %gather3A_230 : vector<16xf32>
      %xor3A_232 = arith.constant 4 : i32
      %xor3A_233 = vector.broadcast %xor3A_232 : i32 to vector<16xi32>
      %xor3A_234 = arith.xori %iota3A, %xor3A_233 : vector<16xi32>
      %lt3A_235 = arith.constant 0 : i32
      %lt3A_236 = vector.broadcast %lt3A_235 : i32 to vector<16xi32>
      %lt3A_237 = arith.cmpi slt, %xor3A_234, %lt3A_236 : vector<16xi32>
      %add3A_238 = arith.constant 16 : i32
      %add3A_239 = vector.broadcast %add3A_238 : i32 to vector<16xi32>
      %add3A_240 = arith.addi %xor3A_234, %add3A_239 : vector<16xi32>
      %select_n3A_241 = arith.select %lt3A_237, %add3A_240, %xor3A_234 : vector<16xi1>, vector<16xi32>
      %broadcast_in_dim3A_242 = vector.shape_cast %select_n3A_241 : vector<16xi32> to vector<16x1xi32>
      %gather3A_243 = vector.shape_cast %broadcast_in_dim3A_242 : vector<16x1xi32> to vector<16xi32>
      %gather3A_244 = tpu.dynamic_gather %max3A_231[%gather3A_243] in [0] : vector<16xf32>, vector<16xi32> -> vector<16xf32>
      %max3A_245 = arith.maximumf %max3A_231, %gather3A_244 : vector<16xf32>
      %xor3A_246 = arith.constant 2 : i32
      %xor3A_247 = vector.broadcast %xor3A_246 : i32 to vector<16xi32>
      %xor3A_248 = arith.xori %iota3A, %xor3A_247 : vector<16xi32>
      %lt3A_249 = arith.constant 0 : i32
      %lt3A_250 = vector.broadcast %lt3A_249 : i32 to vector<16xi32>
      %lt3A_251 = arith.cmpi slt, %xor3A_248, %lt3A_250 : vector<16xi32>
      %add3A_252 = arith.constant 16 : i32
      %add3A_253 = vector.broadcast %add3A_252 : i32 to vector<16xi32>
      %add3A_254 = arith.addi %xor3A_248, %add3A_253 : vector<16xi32>
      %select_n3A_255 = arith.select %lt3A_251, %add3A_254, %xor3A_248 : vector<16xi1>, vector<16xi32>
      %broadcast_in_dim3A_256 = vector.shape_cast %select_n3A_255 : vector<16xi32> to vector<16x1xi32>
      %gather3A_257 = vector.shape_cast %broadcast_in_dim3A_256 : vector<16x1xi32> to vector<16xi32>
      %gather3A_258 = tpu.dynamic_gather %max3A_245[%gather3A_257] in [0] : vector<16xf32>, vector<16xi32> -> vector<16xf32>
      %max3A_259 = arith.maximumf %max3A_245, %gather3A_258 : vector<16xf32>
      %xor3A_260 = arith.constant 1 : i32
      %xor3A_261 = vector.broadcast %xor3A_260 : i32 to vector<16xi32>
      %xor3A_262 = arith.xori %iota3A, %xor3A_261 : vector<16xi32>
      %lt3A_263 = arith.constant 0 : i32
      %lt3A_264 = vector.broadcast %lt3A_263 : i32 to vector<16xi32>
      %lt3A_265 = arith.cmpi slt, %xor3A_262, %lt3A_264 : vector<16xi32>
      %add3A_266 = arith.constant 16 : i32
      %add3A_267 = vector.broadcast %add3A_266 : i32 to vector<16xi32>
      %add3A_268 = arith.addi %xor3A_262, %add3A_267 : vector<16xi32>
      %select_n3A_269 = arith.select %lt3A_265, %add3A_268, %xor3A_262 : vector<16xi1>, vector<16xi32>
      %broadcast_in_dim3A_270 = vector.shape_cast %select_n3A_269 : vector<16xi32> to vector<16x1xi32>
      %gather3A_271 = vector.shape_cast %broadcast_in_dim3A_270 : vector<16x1xi32> to vector<16xi32>
      %gather3A_272 = tpu.dynamic_gather %max3A_259[%gather3A_271] in [0] : vector<16xf32>, vector<16xi32> -> vector<16xf32>
      %max3A_273 = arith.maximumf %max3A_259, %gather3A_272 : vector<16xf32>
      %mul3A_274 = arith.constant 16 : i32
      %mul3A_275 = vector.broadcast %mul3A_274 : i32 to vector<16xi32>
      %mul3A_276 = arith.muli %scan3A_80#2, %mul3A_275 : vector<16xi32>
      %add3A_277 = arith.addi %mul3A_276, %iota3A : vector<16xi32>
      %eq3A = arith.cmpf oeq, %scan3A_80#1, %max3A_273 : vector<16xf32>
      %jit3A = arith.constant 1073741824 : i32
      %broadcast_in_dim3A_278 = vector.broadcast %jit3A : i32 to vector<16xi32>
      %select_n3A_279 = arith.select %eq3A, %add3A_277, %broadcast_in_dim3A_278 : vector<16xi1>, vector<16xi32>
      %xor3A_280 = arith.constant 8 : i32
      %xor3A_281 = vector.broadcast %xor3A_280 : i32 to vector<16xi32>
      %xor3A_282 = arith.xori %iota3A, %xor3A_281 : vector<16xi32>
      %lt3A_283 = arith.constant 0 : i32
      %lt3A_284 = vector.broadcast %lt3A_283 : i32 to vector<16xi32>
      %lt3A_285 = arith.cmpi slt, %xor3A_282, %lt3A_284 : vector<16xi32>
      %add3A_286 = arith.constant 16 : i32
      %add3A_287 = vector.broadcast %add3A_286 : i32 to vector<16xi32>
      %add3A_288 = arith.addi %xor3A_282, %add3A_287 : vector<16xi32>
      %select_n3A_289 = arith.select %lt3A_285, %add3A_288, %xor3A_282 : vector<16xi1>, vector<16xi32>
      %broadcast_in_dim3A_290 = vector.shape_cast %select_n3A_289 : vector<16xi32> to vector<16x1xi32>
      %gather3A_291 = vector.shape_cast %broadcast_in_dim3A_290 : vector<16x1xi32> to vector<16xi32>
      %gather3A_292 = tpu.dynamic_gather %select_n3A_279[%gather3A_291] in [0] : vector<16xi32>, vector<16xi32> -> vector<16xi32>
      %min3A = arith.minsi %select_n3A_279, %gather3A_292 : vector<16xi32>
      %xor3A_293 = arith.constant 4 : i32
      %xor3A_294 = vector.broadcast %xor3A_293 : i32 to vector<16xi32>
      %xor3A_295 = arith.xori %iota3A, %xor3A_294 : vector<16xi32>
      %lt3A_296 = arith.constant 0 : i32
      %lt3A_297 = vector.broadcast %lt3A_296 : i32 to vector<16xi32>
      %lt3A_298 = arith.cmpi slt, %xor3A_295, %lt3A_297 : vector<16xi32>
      %add3A_299 = arith.constant 16 : i32
      %add3A_300 = vector.broadcast %add3A_299 : i32 to vector<16xi32>
      %add3A_301 = arith.addi %xor3A_295, %add3A_300 : vector<16xi32>
      %select_n3A_302 = arith.select %lt3A_298, %add3A_301, %xor3A_295 : vector<16xi1>, vector<16xi32>
      %broadcast_in_dim3A_303 = vector.shape_cast %select_n3A_302 : vector<16xi32> to vector<16x1xi32>
      %gather3A_304 = vector.shape_cast %broadcast_in_dim3A_303 : vector<16x1xi32> to vector<16xi32>
      %gather3A_305 = tpu.dynamic_gather %min3A[%gather3A_304] in [0] : vector<16xi32>, vector<16xi32> -> vector<16xi32>
      %min3A_306 = arith.minsi %min3A, %gather3A_305 : vector<16xi32>
      %xor3A_307 = arith.constant 2 : i32
      %xor3A_308 = vector.broadcast %xor3A_307 : i32 to vector<16xi32>
      %xor3A_309 = arith.xori %iota3A, %xor3A_308 : vector<16xi32>
      %lt3A_310 = arith.constant 0 : i32
      %lt3A_311 = vector.broadcast %lt3A_310 : i32 to vector<16xi32>
      %lt3A_312 = arith.cmpi slt, %xor3A_309, %lt3A_311 : vector<16xi32>
      %add3A_313 = arith.constant 16 : i32
      %add3A_314 = vector.broadcast %add3A_313 : i32 to vector<16xi32>
      %add3A_315 = arith.addi %xor3A_309, %add3A_314 : vector<16xi32>
      %select_n3A_316 = arith.select %lt3A_312, %add3A_315, %xor3A_309 : vector<16xi1>, vector<16xi32>
      %broadcast_in_dim3A_317 = vector.shape_cast %select_n3A_316 : vector<16xi32> to vector<16x1xi32>
      %gather3A_318 = vector.shape_cast %broadcast_in_dim3A_317 : vector<16x1xi32> to vector<16xi32>
      %gather3A_319 = tpu.dynamic_gather %min3A_306[%gather3A_318] in [0] : vector<16xi32>, vector<16xi32> -> vector<16xi32>
      %min3A_320 = arith.minsi %min3A_306, %gather3A_319 : vector<16xi32>
      %xor3A_321 = arith.constant 1 : i32
      %xor3A_322 = vector.broadcast %xor3A_321 : i32 to vector<16xi32>
      %xor3A_323 = arith.xori %iota3A, %xor3A_322 : vector<16xi32>
      %lt3A_324 = arith.constant 0 : i32
      %lt3A_325 = vector.broadcast %lt3A_324 : i32 to vector<16xi32>
      %lt3A_326 = arith.cmpi slt, %xor3A_323, %lt3A_325 : vector<16xi32>
      %add3A_327 = arith.constant 16 : i32
      %add3A_328 = vector.broadcast %add3A_327 : i32 to vector<16xi32>
      %add3A_329 = arith.addi %xor3A_323, %add3A_328 : vector<16xi32>
      %select_n3A_330 = arith.select %lt3A_326, %add3A_329, %xor3A_323 : vector<16xi1>, vector<16xi32>
      %broadcast_in_dim3A_331 = vector.shape_cast %select_n3A_330 : vector<16xi32> to vector<16x1xi32>
      %gather3A_332 = vector.shape_cast %broadcast_in_dim3A_331 : vector<16x1xi32> to vector<16xi32>
      %gather3A_333 = tpu.dynamic_gather %min3A_320[%gather3A_332] in [0] : vector<16xi32>, vector<16xi32> -> vector<16xi32>
      %min3A_334 = arith.minsi %min3A_320, %gather3A_333 : vector<16xi32>
      %eq3A_335 = arith.cmpi eq, %add3A_277, %min3A_334 : vector<16xi32>
      %and3A_336 = arith.andi %eq3A, %eq3A_335 : vector<16xi1>
      %select_n3A_337 = arith.select %and3A_336, %scan3A_80#3, %broadcast_in_dim3A_5 : vector<16xi1>, vector<16xf32>
      %xor3A_338 = arith.constant 8 : i32
      %xor3A_339 = vector.broadcast %xor3A_338 : i32 to vector<16xi32>
      %xor3A_340 = arith.xori %iota3A, %xor3A_339 : vector<16xi32>
      %lt3A_341 = arith.constant 0 : i32
      %lt3A_342 = vector.broadcast %lt3A_341 : i32 to vector<16xi32>
      %lt3A_343 = arith.cmpi slt, %xor3A_340, %lt3A_342 : vector<16xi32>
      %add3A_344 = arith.constant 16 : i32
      %add3A_345 = vector.broadcast %add3A_344 : i32 to vector<16xi32>
      %add3A_346 = arith.addi %xor3A_340, %add3A_345 : vector<16xi32>
      %select_n3A_347 = arith.select %lt3A_343, %add3A_346, %xor3A_340 : vector<16xi1>, vector<16xi32>
      %broadcast_in_dim3A_348 = vector.shape_cast %select_n3A_347 : vector<16xi32> to vector<16x1xi32>
      %gather3A_349 = vector.shape_cast %broadcast_in_dim3A_348 : vector<16x1xi32> to vector<16xi32>
      %gather3A_350 = tpu.dynamic_gather %select_n3A_337[%gather3A_349] in [0] : vector<16xf32>, vector<16xi32> -> vector<16xf32>
      %max3A_351 = arith.maximumf %select_n3A_337, %gather3A_350 : vector<16xf32>
      %xor3A_352 = arith.constant 4 : i32
      %xor3A_353 = vector.broadcast %xor3A_352 : i32 to vector<16xi32>
      %xor3A_354 = arith.xori %iota3A, %xor3A_353 : vector<16xi32>
      %lt3A_355 = arith.constant 0 : i32
      %lt3A_356 = vector.broadcast %lt3A_355 : i32 to vector<16xi32>
      %lt3A_357 = arith.cmpi slt, %xor3A_354, %lt3A_356 : vector<16xi32>
      %add3A_358 = arith.constant 16 : i32
      %add3A_359 = vector.broadcast %add3A_358 : i32 to vector<16xi32>
      %add3A_360 = arith.addi %xor3A_354, %add3A_359 : vector<16xi32>
      %select_n3A_361 = arith.select %lt3A_357, %add3A_360, %xor3A_354 : vector<16xi1>, vector<16xi32>
      %broadcast_in_dim3A_362 = vector.shape_cast %select_n3A_361 : vector<16xi32> to vector<16x1xi32>
      %gather3A_363 = vector.shape_cast %broadcast_in_dim3A_362 : vector<16x1xi32> to vector<16xi32>
      %gather3A_364 = tpu.dynamic_gather %max3A_351[%gather3A_363] in [0] : vector<16xf32>, vector<16xi32> -> vector<16xf32>
      %max3A_365 = arith.maximumf %max3A_351, %gather3A_364 : vector<16xf32>
      %xor3A_366 = arith.constant 2 : i32
      %xor3A_367 = vector.broadcast %xor3A_366 : i32 to vector<16xi32>
      %xor3A_368 = arith.xori %iota3A, %xor3A_367 : vector<16xi32>
      %lt3A_369 = arith.constant 0 : i32
      %lt3A_370 = vector.broadcast %lt3A_369 : i32 to vector<16xi32>
      %lt3A_371 = arith.cmpi slt, %xor3A_368, %lt3A_370 : vector<16xi32>
      %add3A_372 = arith.constant 16 : i32
      %add3A_373 = vector.broadcast %add3A_372 : i32 to vector<16xi32>
      %add3A_374 = arith.addi %xor3A_368, %add3A_373 : vector<16xi32>
      %select_n3A_375 = arith.select %lt3A_371, %add3A_374, %xor3A_368 : vector<16xi1>, vector<16xi32>
      %broadcast_in_dim3A_376 = vector.shape_cast %select_n3A_375 : vector<16xi32> to vector<16x1xi32>
      %gather3A_377 = vector.shape_cast %broadcast_in_dim3A_376 : vector<16x1xi32> to vector<16xi32>
      %gather3A_378 = tpu.dynamic_gather %max3A_365[%gather3A_377] in [0] : vector<16xf32>, vector<16xi32> -> vector<16xf32>
      %max3A_379 = arith.maximumf %max3A_365, %gather3A_378 : vector<16xf32>
      %xor3A_380 = arith.constant 1 : i32
      %xor3A_381 = vector.broadcast %xor3A_380 : i32 to vector<16xi32>
      %xor3A_382 = arith.xori %iota3A, %xor3A_381 : vector<16xi32>
      %lt3A_383 = arith.constant 0 : i32
      %lt3A_384 = vector.broadcast %lt3A_383 : i32 to vector<16xi32>
      %lt3A_385 = arith.cmpi slt, %xor3A_382, %lt3A_384 : vector<16xi32>
      %add3A_386 = arith.constant 16 : i32
      %add3A_387 = vector.broadcast %add3A_386 : i32 to vector<16xi32>
      %add3A_388 = arith.addi %xor3A_382, %add3A_387 : vector<16xi32>
      %select_n3A_389 = arith.select %lt3A_385, %add3A_388, %xor3A_382 : vector<16xi1>, vector<16xi32>
      %broadcast_in_dim3A_390 = vector.shape_cast %select_n3A_389 : vector<16xi32> to vector<16x1xi32>
      %gather3A_391 = vector.shape_cast %broadcast_in_dim3A_390 : vector<16x1xi32> to vector<16xi32>
      %gather3A_392 = tpu.dynamic_gather %max3A_379[%gather3A_391] in [0] : vector<16xf32>, vector<16xi32> -> vector<16xf32>
      %max3A_393 = arith.maximumf %max3A_379, %gather3A_392 : vector<16xf32>
      %sub3A_394 = arith.subf %max3A_393, %add3A_217 : vector<16xf32>
      %and3A_395 = arith.constant 15 : i32
      %and3A_396 = arith.andi %scan3A_15, %and3A_395 : i32
      %eq3A_397 = vector.broadcast %and3A_396 : i32 to vector<16xi32>
      %eq3A_398 = arith.cmpi eq, %iota3A, %eq3A_397 : vector<16xi32>
      %select_n3A_399 = arith.select %eq3A_398, %sub3A_394, %scan3A_16 : vector<16xi1>, vector<16xf32>
      %jit3A_400 = arith.constant 16 : i32
      %div3A = arith.divsi %scan3A_15, %jit3A_400 : i32
      %sign3A = arith.constant 0 : i32
      %sign3A_401 = arith.cmpi sgt, %scan3A_15, %sign3A : i32
      %sign3A_402 = arith.extui %sign3A_401 : i1 to i32
      %sign3A_403 = arith.constant 0 : i32
      %sign3A_404 = arith.cmpi slt, %scan3A_15, %sign3A_403 : i32
      %sign3A_405 = arith.extui %sign3A_404 : i1 to i32
      %sign3A_406 = arith.subi %sign3A_402, %sign3A_405 : i32
      %sign3A_407 = arith.constant 0 : i32
      %sign3A_408 = arith.cmpi sgt, %jit3A_400, %sign3A_407 : i32
      %sign3A_409 = arith.extui %sign3A_408 : i1 to i32
      %sign3A_410 = arith.constant 0 : i32
      %sign3A_411 = arith.cmpi slt, %jit3A_400, %sign3A_410 : i32
      %sign3A_412 = arith.extui %sign3A_411 : i1 to i32
      %sign3A_413 = arith.subi %sign3A_409, %sign3A_412 : i32
      %ne3A = arith.cmpi ne, %sign3A_406, %sign3A_413 : i32
      %rem3A = arith.remsi %scan3A_15, %jit3A_400 : i32
      %ne3A_414 = arith.constant 0 : i32
      %ne3A_415 = arith.cmpi ne, %rem3A, %ne3A_414 : i32
      %and3A_416 = arith.andi %ne3A, %ne3A_415 : i1
      %sub3A_417 = arith.constant 1 : i32
      %sub3A_418 = arith.subi %div3A, %sub3A_417 : i32
      %select_n3A_419 = arith.select %and3A_416, %sub3A_418, %div3A : i32
      %mul3A_420 = arith.constant 16 : i32
      %mul3A_421 = arith.muli %select_n3A_419, %mul3A_420 : i32
      %swap3A = arith.index_cast %mul3A_421 : i32 to index
      %swap3A_422 = tpu.vector_load %arg7[%swap3A] {strides = array<i32>} : memref<96xf32, #tpu.memory_space<vmem>>, vector<16xf32>,
      %swap3A_423 = vector.shape_cast %swap3A_422 : vector<16xf32> to vector<16xf32>
      %swap3A_424 = vector.shape_cast %select_n3A_399 : vector<16xf32> to vector<16xf32>
      tpu.vector_store %arg7[%swap3A], %swap3A_424 {strides = array<i32>} : memref<96xf32, #tpu.memory_space<vmem>>, vector<16xf32>,
      scf.yield %select_n3A_399 : vector<16xf32>
    }
    %scan3A_14 = arith.constant 96 : i32
    "tpu.region"() ({
      %run_scoped3A = tpu.sem_alloc : memref<!tpu.dma_semaphore, #tpu.memory_space<semaphore_mem>>
      %dma_start3A = tpu.memref_slice %arg4[%mul3A_2] : memref<3072xf32, #tpu.memory_space<hbm>> -> memref<96xf32, #tpu.memory_space<hbm>>
      %dma_start3A_15 = tpu.memref_slice %arg4[%mul3A_2] : memref<3072xf32, #tpu.memory_space<hbm>> -> memref<96xf32, #tpu.memory_space<hbm>>
      tpu.enqueue_dma source(%arg7 : memref<96xf32, #tpu.memory_space<vmem>>) target(%dma_start3A_15 : memref<96xf32, #tpu.memory_space<hbm>>) target_semaphore(%run_scoped3A : memref<!tpu.dma_semaphore, #tpu.memory_space<semaphore_mem>>)
      %dma_wait3A = tpu.memref_slice %arg4[%mul3A_2] : memref<3072xf32, #tpu.memory_space<hbm>> -> memref<96xf32, #tpu.memory_space<hbm>>
      %dma_wait3A_16 = tpu.memref_slice %arg4[%mul3A_2] : memref<3072xf32, #tpu.memory_space<hbm>> -> memref<96xf32, #tpu.memory_space<hbm>>
      tpu.wait_dma2 semaphore(%run_scoped3A : memref<!tpu.dma_semaphore, #tpu.memory_space<semaphore_mem>>) src(%arg7 : memref<96xf32, #tpu.memory_space<vmem>>) dst(%dma_wait3A_16 : memref<96xf32, #tpu.memory_space<hbm>>)
      tpu.yield
    }) : () -> ()
    return
  }
}

module attributes {stable_mosaic.version = 14 : i64} {
  func.func @_body(%arg0: i32, %arg1: memref<256x4096xi32, #tpu.memory_space<vmem>>, %arg2: memref<256x4096xf32, #tpu.memory_space<vmem>>, %arg3: memref<256x4096xi32, #tpu.memory_space<vmem>>, %arg4: memref<256x1xf32, #tpu.memory_space<vmem>>) attributes {dimension_semantics = [#tpu.dimension_semantics<arbitrary>], iteration_bounds = array<i64: 52>, scalar_prefetch = 0 : i64, scratch_operands = 0 : i64, tpu.core_type = #tpu.core_type<tc>, window_params = [{pipeline_mode = #tpu.pipeline_mode<synchronous>, transform_indices = @transform_0, window_bounds = array<i64: 256, 4096>}, {transform_indices = @transform_1, window_bounds = array<i64: 256, 4096>}, {transform_indices = @transform_2, window_bounds = array<i64: 256, 4096>}, {transform_indices = @transform_3, window_bounds = array<i64: 256, 1>}]} {
    %get3A = arith.constant 0 : index
    %get3A_0 = arith.constant 0 : index
    %get3A_1 = vector.load %arg2[%get3A, %get3A_0] : memref<256x4096xf32, #tpu.memory_space<vmem>>, vector<256x4096xf32>
    %get3A_2 = arith.constant 0 : index
    %get3A_3 = arith.constant 0 : index
    %get3A_4 = vector.load %arg3[%get3A_2, %get3A_3] : memref<256x4096xi32, #tpu.memory_space<vmem>>, vector<256x4096xi32>
    %get3A_5 = arith.constant dense<0> : vector<256x4096xi32>
    %get3A_6 = arith.cmpi ne, %get3A_4, %get3A_5 : vector<256x4096xi32>
    %jit3A = arith.constant -1.000000e+09 : f32
    %broadcast_in_dim3A = vector.broadcast %jit3A : f32 to vector<256x4096xf32>
    %select_n3A = arith.select %get3A_6, %get3A_1, %broadcast_in_dim3A : vector<256x4096xi1>, vector<256x4096xf32>
    %reduce_max3A = arith.constant dense<0xFF800000> : vector<256xf32>
    %reduce_max3A_7 = vector.multi_reduction <maximumf>, %select_n3A, %reduce_max3A [1] : vector<256x4096xf32> to vector<256xf32>
    %broadcast_in_dim3A_8 = vector.shape_cast %reduce_max3A_7 : vector<256xf32> to vector<256x1xf32>
    %sub3A = vector.broadcast %broadcast_in_dim3A_8 : vector<256x1xf32> to vector<256x4096xf32>
    %sub3A_9 = arith.subf %select_n3A, %sub3A : vector<256x4096xf32>
    %exp3A = math.exp %sub3A_9 : vector<256x4096xf32>
    %reduce_sum3A = arith.constant dense<0.000000e+00> : vector<256xf32>
    %reduce_sum3A_10 = vector.multi_reduction <add>, %exp3A, %reduce_sum3A [1] : vector<256x4096xf32> to vector<256xf32>
    %broadcast_in_dim3A_11 = vector.shape_cast %reduce_sum3A_10 : vector<256xf32> to vector<256x1xf32>
    %log3A = math.log %broadcast_in_dim3A_11 : vector<256x1xf32>
    %add3A = arith.addf %broadcast_in_dim3A_8, %log3A : vector<256x1xf32>
    %add3A_12 = arith.constant 12 : i32
    %add3A_13 = arith.addi %arg0, %add3A_12 : i32
    %mul3A = arith.constant 1048576 : i32
    %mul3A_14 = arith.muli %add3A_13, %mul3A : i32
    %get3A_15 = arith.constant 0 : index
    %get3A_16 = arith.constant 0 : index
    %get3A_17 = vector.load %arg1[%get3A_15, %get3A_16] : memref<256x4096xi32, #tpu.memory_space<vmem>>, vector<256x4096xi32>
    %add3A_18 = vector.broadcast %mul3A_14 : i32 to vector<256x4096xi32>
    %add3A_19 = arith.addi %get3A_17, %add3A_18 : vector<256x4096xi32>
    %add3A_20 = arith.constant 42 : i32
    %add3A_21 = vector.broadcast %add3A_20 : i32 to vector<256x4096xi32>
    %add3A_22 = arith.addi %add3A_19, %add3A_21 : vector<256x4096xi32>
    %shift_left3A = arith.constant 13 : i32
    %shift_left3A_23 = vector.broadcast %shift_left3A : i32 to vector<256x4096xi32>
    %shift_left3A_24 = arith.shli %add3A_22, %shift_left3A_23 : vector<256x4096xi32>
    %shift_right_logical3A = arith.constant 19 : i32
    %shift_right_logical3A_25 = vector.broadcast %shift_right_logical3A : i32 to vector<256x4096xi32>
    %shift_right_logical3A_26 = arith.shrui %add3A_22, %shift_right_logical3A_25 : vector<256x4096xi32>
    %or3A = arith.ori %shift_left3A_24, %shift_right_logical3A_26 : vector<256x4096xi32>
    %xor3A = arith.xori %add3A_22, %or3A : vector<256x4096xi32>
    %add3A_27 = arith.addi %add3A_22, %xor3A : vector<256x4096xi32>
    %shift_left3A_28 = arith.constant 15 : i32
    %shift_left3A_29 = vector.broadcast %shift_left3A_28 : i32 to vector<256x4096xi32>
    %shift_left3A_30 = arith.shli %xor3A, %shift_left3A_29 : vector<256x4096xi32>
    %shift_right_logical3A_31 = arith.constant 17 : i32
    %shift_right_logical3A_32 = vector.broadcast %shift_right_logical3A_31 : i32 to vector<256x4096xi32>
    %shift_right_logical3A_33 = arith.shrui %xor3A, %shift_right_logical3A_32 : vector<256x4096xi32>
    %or3A_34 = arith.ori %shift_left3A_30, %shift_right_logical3A_33 : vector<256x4096xi32>
    %xor3A_35 = arith.xori %add3A_27, %or3A_34 : vector<256x4096xi32>
    %add3A_36 = arith.addi %add3A_27, %xor3A_35 : vector<256x4096xi32>
    %shift_left3A_37 = arith.constant 26 : i32
    %shift_left3A_38 = vector.broadcast %shift_left3A_37 : i32 to vector<256x4096xi32>
    %shift_left3A_39 = arith.shli %xor3A_35, %shift_left3A_38 : vector<256x4096xi32>
    %shift_right_logical3A_40 = arith.constant 6 : i32
    %shift_right_logical3A_41 = vector.broadcast %shift_right_logical3A_40 : i32 to vector<256x4096xi32>
    %shift_right_logical3A_42 = arith.shrui %xor3A_35, %shift_right_logical3A_41 : vector<256x4096xi32>
    %or3A_43 = arith.ori %shift_left3A_39, %shift_right_logical3A_42 : vector<256x4096xi32>
    %xor3A_44 = arith.xori %add3A_36, %or3A_43 : vector<256x4096xi32>
    %add3A_45 = arith.addi %add3A_36, %xor3A_44 : vector<256x4096xi32>
    %shift_left3A_46 = arith.constant 6 : i32
    %shift_left3A_47 = vector.broadcast %shift_left3A_46 : i32 to vector<256x4096xi32>
    %shift_left3A_48 = arith.shli %xor3A_44, %shift_left3A_47 : vector<256x4096xi32>
    %shift_right_logical3A_49 = arith.constant 26 : i32
    %shift_right_logical3A_50 = vector.broadcast %shift_right_logical3A_49 : i32 to vector<256x4096xi32>
    %shift_right_logical3A_51 = arith.shrui %xor3A_44, %shift_right_logical3A_50 : vector<256x4096xi32>
    %or3A_52 = arith.ori %shift_left3A_48, %shift_right_logical3A_51 : vector<256x4096xi32>
    %xor3A_53 = arith.xori %add3A_45, %or3A_52 : vector<256x4096xi32>
    %add3A_54 = arith.constant 42 : i32
    %add3A_55 = vector.broadcast %add3A_54 : i32 to vector<256x4096xi32>
    %add3A_56 = arith.addi %add3A_45, %add3A_55 : vector<256x4096xi32>
    %add3A_57 = arith.constant 466689008 : i32
    %add3A_58 = vector.broadcast %add3A_57 : i32 to vector<256x4096xi32>
    %add3A_59 = arith.addi %xor3A_53, %add3A_58 : vector<256x4096xi32>
    %add3A_60 = arith.constant 1 : i32
    %add3A_61 = vector.broadcast %add3A_60 : i32 to vector<256x4096xi32>
    %add3A_62 = arith.addi %add3A_59, %add3A_61 : vector<256x4096xi32>
    %add3A_63 = arith.addi %add3A_56, %add3A_62 : vector<256x4096xi32>
    %shift_left3A_64 = arith.constant 17 : i32
    %shift_left3A_65 = vector.broadcast %shift_left3A_64 : i32 to vector<256x4096xi32>
    %shift_left3A_66 = arith.shli %add3A_62, %shift_left3A_65 : vector<256x4096xi32>
    %shift_right_logical3A_67 = arith.constant 15 : i32
    %shift_right_logical3A_68 = vector.broadcast %shift_right_logical3A_67 : i32 to vector<256x4096xi32>
    %shift_right_logical3A_69 = arith.shrui %add3A_62, %shift_right_logical3A_68 : vector<256x4096xi32>
    %or3A_70 = arith.ori %shift_left3A_66, %shift_right_logical3A_69 : vector<256x4096xi32>
    %xor3A_71 = arith.xori %add3A_63, %or3A_70 : vector<256x4096xi32>
    %add3A_72 = arith.addi %add3A_63, %xor3A_71 : vector<256x4096xi32>
    %shift_left3A_73 = arith.constant 29 : i32
    %shift_left3A_74 = vector.broadcast %shift_left3A_73 : i32 to vector<256x4096xi32>
    %shift_left3A_75 = arith.shli %xor3A_71, %shift_left3A_74 : vector<256x4096xi32>
    %shift_right_logical3A_76 = arith.constant 3 : i32
    %shift_right_logical3A_77 = vector.broadcast %shift_right_logical3A_76 : i32 to vector<256x4096xi32>
    %shift_right_logical3A_78 = arith.shrui %xor3A_71, %shift_right_logical3A_77 : vector<256x4096xi32>
    %or3A_79 = arith.ori %shift_left3A_75, %shift_right_logical3A_78 : vector<256x4096xi32>
    %xor3A_80 = arith.xori %add3A_72, %or3A_79 : vector<256x4096xi32>
    %add3A_81 = arith.addi %add3A_72, %xor3A_80 : vector<256x4096xi32>
    %shift_left3A_82 = arith.constant 16 : i32
    %shift_left3A_83 = vector.broadcast %shift_left3A_82 : i32 to vector<256x4096xi32>
    %shift_left3A_84 = arith.shli %xor3A_80, %shift_left3A_83 : vector<256x4096xi32>
    %shift_right_logical3A_85 = arith.constant 16 : i32
    %shift_right_logical3A_86 = vector.broadcast %shift_right_logical3A_85 : i32 to vector<256x4096xi32>
    %shift_right_logical3A_87 = arith.shrui %xor3A_80, %shift_right_logical3A_86 : vector<256x4096xi32>
    %or3A_88 = arith.ori %shift_left3A_84, %shift_right_logical3A_87 : vector<256x4096xi32>
    %xor3A_89 = arith.xori %add3A_81, %or3A_88 : vector<256x4096xi32>
    %add3A_90 = arith.addi %add3A_81, %xor3A_89 : vector<256x4096xi32>
    %shift_left3A_91 = arith.constant 24 : i32
    %shift_left3A_92 = vector.broadcast %shift_left3A_91 : i32 to vector<256x4096xi32>
    %shift_left3A_93 = arith.shli %xor3A_89, %shift_left3A_92 : vector<256x4096xi32>
    %shift_right_logical3A_94 = arith.constant 8 : i32
    %shift_right_logical3A_95 = vector.broadcast %shift_right_logical3A_94 : i32 to vector<256x4096xi32>
    %shift_right_logical3A_96 = arith.shrui %xor3A_89, %shift_right_logical3A_95 : vector<256x4096xi32>
    %or3A_97 = arith.ori %shift_left3A_93, %shift_right_logical3A_96 : vector<256x4096xi32>
    %xor3A_98 = arith.xori %add3A_90, %or3A_97 : vector<256x4096xi32>
    %add3A_99 = arith.constant 466689008 : i32
    %add3A_100 = vector.broadcast %add3A_99 : i32 to vector<256x4096xi32>
    %add3A_101 = arith.addi %add3A_90, %add3A_100 : vector<256x4096xi32>
    %add3A_102 = arith.constant 0 : i32
    %add3A_103 = vector.broadcast %add3A_102 : i32 to vector<256x4096xi32>
    %add3A_104 = arith.addi %xor3A_98, %add3A_103 : vector<256x4096xi32>
    %add3A_105 = arith.constant 2 : i32
    %add3A_106 = vector.broadcast %add3A_105 : i32 to vector<256x4096xi32>
    %add3A_107 = arith.addi %add3A_104, %add3A_106 : vector<256x4096xi32>
    %add3A_108 = arith.addi %add3A_101, %add3A_107 : vector<256x4096xi32>
    %shift_left3A_109 = arith.constant 13 : i32
    %shift_left3A_110 = vector.broadcast %shift_left3A_109 : i32 to vector<256x4096xi32>
    %shift_left3A_111 = arith.shli %add3A_107, %shift_left3A_110 : vector<256x4096xi32>
    %shift_right_logical3A_112 = arith.constant 19 : i32
    %shift_right_logical3A_113 = vector.broadcast %shift_right_logical3A_112 : i32 to vector<256x4096xi32>
    %shift_right_logical3A_114 = arith.shrui %add3A_107, %shift_right_logical3A_113 : vector<256x4096xi32>
    %or3A_115 = arith.ori %shift_left3A_111, %shift_right_logical3A_114 : vector<256x4096xi32>
    %xor3A_116 = arith.xori %add3A_108, %or3A_115 : vector<256x4096xi32>
    %add3A_117 = arith.addi %add3A_108, %xor3A_116 : vector<256x4096xi32>
    %shift_left3A_118 = arith.constant 15 : i32
    %shift_left3A_119 = vector.broadcast %shift_left3A_118 : i32 to vector<256x4096xi32>
    %shift_left3A_120 = arith.shli %xor3A_116, %shift_left3A_119 : vector<256x4096xi32>
    %shift_right_logical3A_121 = arith.constant 17 : i32
    %shift_right_logical3A_122 = vector.broadcast %shift_right_logical3A_121 : i32 to vector<256x4096xi32>
    %shift_right_logical3A_123 = arith.shrui %xor3A_116, %shift_right_logical3A_122 : vector<256x4096xi32>
    %or3A_124 = arith.ori %shift_left3A_120, %shift_right_logical3A_123 : vector<256x4096xi32>
    %xor3A_125 = arith.xori %add3A_117, %or3A_124 : vector<256x4096xi32>
    %add3A_126 = arith.addi %add3A_117, %xor3A_125 : vector<256x4096xi32>
    %shift_left3A_127 = arith.constant 26 : i32
    %shift_left3A_128 = vector.broadcast %shift_left3A_127 : i32 to vector<256x4096xi32>
    %shift_left3A_129 = arith.shli %xor3A_125, %shift_left3A_128 : vector<256x4096xi32>
    %shift_right_logical3A_130 = arith.constant 6 : i32
    %shift_right_logical3A_131 = vector.broadcast %shift_right_logical3A_130 : i32 to vector<256x4096xi32>
    %shift_right_logical3A_132 = arith.shrui %xor3A_125, %shift_right_logical3A_131 : vector<256x4096xi32>
    %or3A_133 = arith.ori %shift_left3A_129, %shift_right_logical3A_132 : vector<256x4096xi32>
    %xor3A_134 = arith.xori %add3A_126, %or3A_133 : vector<256x4096xi32>
    %add3A_135 = arith.addi %add3A_126, %xor3A_134 : vector<256x4096xi32>
    %shift_left3A_136 = arith.constant 6 : i32
    %shift_left3A_137 = vector.broadcast %shift_left3A_136 : i32 to vector<256x4096xi32>
    %shift_left3A_138 = arith.shli %xor3A_134, %shift_left3A_137 : vector<256x4096xi32>
    %shift_right_logical3A_139 = arith.constant 26 : i32
    %shift_right_logical3A_140 = vector.broadcast %shift_right_logical3A_139 : i32 to vector<256x4096xi32>
    %shift_right_logical3A_141 = arith.shrui %xor3A_134, %shift_right_logical3A_140 : vector<256x4096xi32>
    %or3A_142 = arith.ori %shift_left3A_138, %shift_right_logical3A_141 : vector<256x4096xi32>
    %xor3A_143 = arith.xori %add3A_135, %or3A_142 : vector<256x4096xi32>
    %add3A_144 = arith.constant 0 : i32
    %add3A_145 = vector.broadcast %add3A_144 : i32 to vector<256x4096xi32>
    %add3A_146 = arith.addi %add3A_135, %add3A_145 : vector<256x4096xi32>
    %add3A_147 = arith.constant 42 : i32
    %add3A_148 = vector.broadcast %add3A_147 : i32 to vector<256x4096xi32>
    %add3A_149 = arith.addi %xor3A_143, %add3A_148 : vector<256x4096xi32>
    %add3A_150 = arith.constant 3 : i32
    %add3A_151 = vector.broadcast %add3A_150 : i32 to vector<256x4096xi32>
    %add3A_152 = arith.addi %add3A_149, %add3A_151 : vector<256x4096xi32>
    %add3A_153 = arith.addi %add3A_146, %add3A_152 : vector<256x4096xi32>
    %shift_left3A_154 = arith.constant 17 : i32
    %shift_left3A_155 = vector.broadcast %shift_left3A_154 : i32 to vector<256x4096xi32>
    %shift_left3A_156 = arith.shli %add3A_152, %shift_left3A_155 : vector<256x4096xi32>
    %shift_right_logical3A_157 = arith.constant 15 : i32
    %shift_right_logical3A_158 = vector.broadcast %shift_right_logical3A_157 : i32 to vector<256x4096xi32>
    %shift_right_logical3A_159 = arith.shrui %add3A_152, %shift_right_logical3A_158 : vector<256x4096xi32>
    %or3A_160 = arith.ori %shift_left3A_156, %shift_right_logical3A_159 : vector<256x4096xi32>
    %xor3A_161 = arith.xori %add3A_153, %or3A_160 : vector<256x4096xi32>
    %add3A_162 = arith.addi %add3A_153, %xor3A_161 : vector<256x4096xi32>
    %shift_left3A_163 = arith.constant 29 : i32
    %shift_left3A_164 = vector.broadcast %shift_left3A_163 : i32 to vector<256x4096xi32>
    %shift_left3A_165 = arith.shli %xor3A_161, %shift_left3A_164 : vector<256x4096xi32>
    %shift_right_logical3A_166 = arith.constant 3 : i32
    %shift_right_logical3A_167 = vector.broadcast %shift_right_logical3A_166 : i32 to vector<256x4096xi32>
    %shift_right_logical3A_168 = arith.shrui %xor3A_161, %shift_right_logical3A_167 : vector<256x4096xi32>
    %or3A_169 = arith.ori %shift_left3A_165, %shift_right_logical3A_168 : vector<256x4096xi32>
    %xor3A_170 = arith.xori %add3A_162, %or3A_169 : vector<256x4096xi32>
    %add3A_171 = arith.addi %add3A_162, %xor3A_170 : vector<256x4096xi32>
    %shift_left3A_172 = arith.constant 16 : i32
    %shift_left3A_173 = vector.broadcast %shift_left3A_172 : i32 to vector<256x4096xi32>
    %shift_left3A_174 = arith.shli %xor3A_170, %shift_left3A_173 : vector<256x4096xi32>
    %shift_right_logical3A_175 = arith.constant 16 : i32
    %shift_right_logical3A_176 = vector.broadcast %shift_right_logical3A_175 : i32 to vector<256x4096xi32>
    %shift_right_logical3A_177 = arith.shrui %xor3A_170, %shift_right_logical3A_176 : vector<256x4096xi32>
    %or3A_178 = arith.ori %shift_left3A_174, %shift_right_logical3A_177 : vector<256x4096xi32>
    %xor3A_179 = arith.xori %add3A_171, %or3A_178 : vector<256x4096xi32>
    %add3A_180 = arith.addi %add3A_171, %xor3A_179 : vector<256x4096xi32>
    %shift_left3A_181 = arith.constant 24 : i32
    %shift_left3A_182 = vector.broadcast %shift_left3A_181 : i32 to vector<256x4096xi32>
    %shift_left3A_183 = arith.shli %xor3A_179, %shift_left3A_182 : vector<256x4096xi32>
    %shift_right_logical3A_184 = arith.constant 8 : i32
    %shift_right_logical3A_185 = vector.broadcast %shift_right_logical3A_184 : i32 to vector<256x4096xi32>
    %shift_right_logical3A_186 = arith.shrui %xor3A_179, %shift_right_logical3A_185 : vector<256x4096xi32>
    %or3A_187 = arith.ori %shift_left3A_183, %shift_right_logical3A_186 : vector<256x4096xi32>
    %xor3A_188 = arith.xori %add3A_180, %or3A_187 : vector<256x4096xi32>
    %add3A_189 = arith.constant 42 : i32
    %add3A_190 = vector.broadcast %add3A_189 : i32 to vector<256x4096xi32>
    %add3A_191 = arith.addi %add3A_180, %add3A_190 : vector<256x4096xi32>
    %add3A_192 = arith.constant 466689008 : i32
    %add3A_193 = vector.broadcast %add3A_192 : i32 to vector<256x4096xi32>
    %add3A_194 = arith.addi %xor3A_188, %add3A_193 : vector<256x4096xi32>
    %add3A_195 = arith.constant 4 : i32
    %add3A_196 = vector.broadcast %add3A_195 : i32 to vector<256x4096xi32>
    %add3A_197 = arith.addi %add3A_194, %add3A_196 : vector<256x4096xi32>
    %add3A_198 = arith.addi %add3A_191, %add3A_197 : vector<256x4096xi32>
    %shift_left3A_199 = arith.constant 13 : i32
    %shift_left3A_200 = vector.broadcast %shift_left3A_199 : i32 to vector<256x4096xi32>
    %shift_left3A_201 = arith.shli %add3A_197, %shift_left3A_200 : vector<256x4096xi32>
    %shift_right_logical3A_202 = arith.constant 19 : i32
    %shift_right_logical3A_203 = vector.broadcast %shift_right_logical3A_202 : i32 to vector<256x4096xi32>
    %shift_right_logical3A_204 = arith.shrui %add3A_197, %shift_right_logical3A_203 : vector<256x4096xi32>
    %or3A_205 = arith.ori %shift_left3A_201, %shift_right_logical3A_204 : vector<256x4096xi32>
    %xor3A_206 = arith.xori %add3A_198, %or3A_205 : vector<256x4096xi32>
    %add3A_207 = arith.addi %add3A_198, %xor3A_206 : vector<256x4096xi32>
    %shift_left3A_208 = arith.constant 15 : i32
    %shift_left3A_209 = vector.broadcast %shift_left3A_208 : i32 to vector<256x4096xi32>
    %shift_left3A_210 = arith.shli %xor3A_206, %shift_left3A_209 : vector<256x4096xi32>
    %shift_right_logical3A_211 = arith.constant 17 : i32
    %shift_right_logical3A_212 = vector.broadcast %shift_right_logical3A_211 : i32 to vector<256x4096xi32>
    %shift_right_logical3A_213 = arith.shrui %xor3A_206, %shift_right_logical3A_212 : vector<256x4096xi32>
    %or3A_214 = arith.ori %shift_left3A_210, %shift_right_logical3A_213 : vector<256x4096xi32>
    %xor3A_215 = arith.xori %add3A_207, %or3A_214 : vector<256x4096xi32>
    %add3A_216 = arith.addi %add3A_207, %xor3A_215 : vector<256x4096xi32>
    %shift_left3A_217 = arith.constant 26 : i32
    %shift_left3A_218 = vector.broadcast %shift_left3A_217 : i32 to vector<256x4096xi32>
    %shift_left3A_219 = arith.shli %xor3A_215, %shift_left3A_218 : vector<256x4096xi32>
    %shift_right_logical3A_220 = arith.constant 6 : i32
    %shift_right_logical3A_221 = vector.broadcast %shift_right_logical3A_220 : i32 to vector<256x4096xi32>
    %shift_right_logical3A_222 = arith.shrui %xor3A_215, %shift_right_logical3A_221 : vector<256x4096xi32>
    %or3A_223 = arith.ori %shift_left3A_219, %shift_right_logical3A_222 : vector<256x4096xi32>
    %xor3A_224 = arith.xori %add3A_216, %or3A_223 : vector<256x4096xi32>
    %add3A_225 = arith.addi %add3A_216, %xor3A_224 : vector<256x4096xi32>
    %shift_left3A_226 = arith.constant 6 : i32
    %shift_left3A_227 = vector.broadcast %shift_left3A_226 : i32 to vector<256x4096xi32>
    %shift_left3A_228 = arith.shli %xor3A_224, %shift_left3A_227 : vector<256x4096xi32>
    %shift_right_logical3A_229 = arith.constant 26 : i32
    %shift_right_logical3A_230 = vector.broadcast %shift_right_logical3A_229 : i32 to vector<256x4096xi32>
    %shift_right_logical3A_231 = arith.shrui %xor3A_224, %shift_right_logical3A_230 : vector<256x4096xi32>
    %or3A_232 = arith.ori %shift_left3A_228, %shift_right_logical3A_231 : vector<256x4096xi32>
    %xor3A_233 = arith.xori %add3A_225, %or3A_232 : vector<256x4096xi32>
    %add3A_234 = arith.constant 466689008 : i32
    %add3A_235 = vector.broadcast %add3A_234 : i32 to vector<256x4096xi32>
    %add3A_236 = arith.addi %add3A_225, %add3A_235 : vector<256x4096xi32>
    %add3A_237 = arith.constant 0 : i32
    %add3A_238 = vector.broadcast %add3A_237 : i32 to vector<256x4096xi32>
    %add3A_239 = arith.addi %xor3A_233, %add3A_238 : vector<256x4096xi32>
    %add3A_240 = arith.constant 5 : i32
    %add3A_241 = vector.broadcast %add3A_240 : i32 to vector<256x4096xi32>
    %add3A_242 = arith.addi %add3A_239, %add3A_241 : vector<256x4096xi32>
    %xor3A_243 = arith.xori %add3A_236, %add3A_242 : vector<256x4096xi32>
    %shift_right_logical3A_244 = arith.constant 9 : i32
    %shift_right_logical3A_245 = vector.broadcast %shift_right_logical3A_244 : i32 to vector<256x4096xi32>
    %shift_right_logical3A_246 = arith.shrui %xor3A_243, %shift_right_logical3A_245 : vector<256x4096xi32>
    %or3A_247 = arith.constant 1065353216 : i32
    %or3A_248 = vector.broadcast %or3A_247 : i32 to vector<256x4096xi32>
    %or3A_249 = arith.ori %shift_right_logical3A_246, %or3A_248 : vector<256x4096xi32>
    %bitcast_convert_type3A = tpu.bitcast %or3A_249 : vector<256x4096xi32> -> vector<256x4096xf32>
    %sub3A_250 = arith.constant 1.000000e+00 : f32
    %sub3A_251 = vector.broadcast %sub3A_250 : f32 to vector<256x4096xf32>
    %sub3A_252 = arith.subf %bitcast_convert_type3A, %sub3A_251 : vector<256x4096xf32>
    %add3A_253 = arith.constant 1.17549435E-38 : f32
    %add3A_254 = vector.broadcast %add3A_253 : f32 to vector<256x4096xf32>
    %add3A_255 = arith.addf %sub3A_252, %add3A_254 : vector<256x4096xf32>
    %log3A_256 = math.log %add3A_255 : vector<256x4096xf32>
    %neg3A = arith.constant 0.000000e+00 : f32
    %neg3A_257 = vector.broadcast %neg3A : f32 to vector<256x4096xf32>
    %neg3A_258 = arith.subf %neg3A_257, %log3A_256 : vector<256x4096xf32>
    %log3A_259 = math.log %neg3A_258 : vector<256x4096xf32>
    %neg3A_260 = arith.constant 0.000000e+00 : f32
    %neg3A_261 = vector.broadcast %neg3A_260 : f32 to vector<256x4096xf32>
    %neg3A_262 = arith.subf %neg3A_261, %log3A_259 : vector<256x4096xf32>
    %add3A_263 = arith.addf %neg3A_262, %select_n3A : vector<256x4096xf32>
    %reduce_max3A_264 = arith.constant dense<0xFF800000> : vector<256xf32>
    %reduce_max3A_265 = vector.multi_reduction <maximumf>, %add3A_263, %reduce_max3A_264 [1] : vector<256x4096xf32> to vector<256xf32>
    %broadcast_in_dim3A_266 = vector.shape_cast %reduce_max3A_265 : vector<256xf32> to vector<256x1xf32>
    %eq3A = vector.broadcast %broadcast_in_dim3A_266 : vector<256x1xf32> to vector<256x4096xf32>
    %eq3A_267 = arith.cmpf oeq, %add3A_263, %eq3A : vector<256x4096xf32>
    %jit3A_268 = arith.constant 0xFF800000 : f32
    %broadcast_in_dim3A_269 = vector.broadcast %jit3A_268 : f32 to vector<256x4096xf32>
    %select_n3A_270 = arith.select %eq3A_267, %select_n3A, %broadcast_in_dim3A_269 : vector<256x4096xi1>, vector<256x4096xf32>
    %reduce_max3A_271 = arith.constant dense<0xFF800000> : vector<256xf32>
    %reduce_max3A_272 = vector.multi_reduction <maximumf>, %select_n3A_270, %reduce_max3A_271 [1] : vector<256x4096xf32> to vector<256xf32>
    %broadcast_in_dim3A_273 = vector.shape_cast %reduce_max3A_272 : vector<256xf32> to vector<256x1xf32>
    %sub3A_274 = arith.subf %broadcast_in_dim3A_273, %add3A : vector<256x1xf32>
    %swap3A = arith.constant 0 : index
    %swap3A_275 = arith.constant 0 : index
    %swap3A_276 = vector.load %arg4[%swap3A, %swap3A_275] : memref<256x1xf32, #tpu.memory_space<vmem>>, vector<256x1xf32>
    tpu.vector_store %arg4[%swap3A, %swap3A_275], %sub3A_274 {strides = array<i32>} : memref<256x1xf32, #tpu.memory_space<vmem>>, vector<256x1xf32>,
    return
  }
  func.func @transform_0(%arg0: i32) -> (i32, i32) {
    %c0_i32 = arith.constant 0 : i32
    %c0_i32_0 = arith.constant 0 : i32
    %c0_i32_1 = arith.constant 0 : i32
    return %c0_i32, %c0_i32_0 : i32, i32
  }
  func.func @transform_1(%arg0: i32) -> (i32, i32) {
    %add3A = arith.constant 12 : i32
    %add3A_0 = arith.addi %arg0, %add3A : i32
    %c0_i32 = arith.constant 0 : i32
    %c0_i32_1 = arith.constant 0 : i32
    return %add3A_0, %c0_i32 : i32, i32
  }
  func.func @transform_2(%arg0: i32) -> (i32, i32) {
    %add3A = arith.constant 12 : i32
    %add3A_0 = arith.addi %arg0, %add3A : i32
    %c0_i32 = arith.constant 0 : i32
    %c0_i32_1 = arith.constant 0 : i32
    return %add3A_0, %c0_i32 : i32, i32
  }
  func.func @transform_3(%arg0: i32) -> (i32, i32) {
    %c0_i32 = arith.constant 0 : i32
    %c0_i32_0 = arith.constant 0 : i32
    return %arg0, %c0_i32 : i32, i32
  }
}

</mosaic_0001>

<sc_bundles>
// kernel: kernel.4.cloned.1.call-start
scs
__scs_entry_jumppad:
0x0: {  	(pc) =	sbr.rel $0x88, $3  }
0x1: {  	(tag) =	ssettag $0x0;
	lr =	simm.s32 $0x1  }
0x2: {  	[smem:$0x3F9F] =	sst lr;
	_ =	strace $0xD0000000  }
0x3: {  	_ = 	snop  }
0x4: {  	_ = 	snop  }
0x5: {  	_ = 	snop  }
0x6: {  	_ = 	snop  }
0x7: {  	_ = 	snop  }
__scs_overlays_trampoline_lowered:
0x8: {  	[smem:$0x3FAE] =	sst s0  }
0x9: {  	[smem:$0x3FAF] =	sst s1  }
0xa: {  	[smem:$0x3FB0] =	sst s2  }
0xb: {  	[smem:$0x3FB1] =	sst s3  }
0xc: {  	[smem:$0x3FB2] =	sst s4  }
0xd: {  	[smem:$0x3FB3] =	sst s5  }
0xe: {  	[smem:$0x3FB4] =	sst s6  }
0xf: {  	[smem:$0x3FB5] =	sst s7  }
0x10: {  	[smem:$0x3FB6] =	sst s8  }
0x11: {  	[smem:$0x3FB7] =	sst s9;
	s0 =	simm.s32 @!p0 $0x0  }
0x12: {  	s1 =	sld [smem:$0x3F9D];
	s0 =	simm.s32 @p0 $0x1  }
0x13: {  	[smem:$0x3FB8] =	sst s0;
	s0 =	simm.s32 @!p1 $0x0  }
0x14: {  	s2 =	sld [smem:$0x3F9C];
	s0 =	simm.s32 @p1 $0x1  }
0x15: {  	[smem:$0x3FB9] =	sst s0;
	s0 =	simm.s32 @!p2 $0x0  }
0x16: {  	s3 =	sld [smem:$0x3FDB];
	s0 =	simm.s32 @p2 $0x1  }
0x17: {  	s4 =	simm.s32 $0x1BF5;
	[smem:$0x3FBB] =	sst s0  }
0x18: {  	s0 =	sld [smem:$0x3F9E];
	_ =	swait.ge [sflag:s4], $0x0  }
0x19: {  	s7 =	sld [smem:$0x3F9F]  }
0x1a: {  	s8 =	sadd.s32 $0xFFFFE003, lr  }
0x1b: {  	s9 =	sadd.s32 $0xFFFFFEF7, lr;
	s5 =	simm.s32 $0xFFFFFFFF;
	p2 =	slt.u32 s8, $0xFFFFF086  }
0x1c: {  	p1 =	slt.u32 s9, $0xF7A;
	s5 =	simm.s32 @!p2 $0x0  }
0x1d: {  	s5 =	simm.s32 @p1 $0x1;
	p0 =	seq.s32 s7, s2  }
0x1e: {  	s7 =	smul.u32 @!p0 $0xF7A, s2;
	p2 =	seq.s32 @!p0 s5, $0x0  }
0x1f: {  	s9 =	smul.u32 $0xF7A, s1;
	s8 =	simm.s32 @!p0 $0x1BF5;
	p2 =	por !p2, p0  }
0x20: {  	[sflag:s8] =	ssyncset.s32 @!p0 $0xFFFFF086;
	s6 =	sadd.s32 @!p0 s3, s7;
	s7 =	simm.s32 @!p0 $0x108  }
0x21: {  	s3 =	sadd.s32 s3, s9;
	s6 =	sadd.s32 @!p0 $0x88, s6;
	s7 =	simm.s32 @p2 $0x1082  }
0x22: {  	[simem:s7], [sflag:s8] =	dma.local @!p0 [hbm:s6], $0xF7A  }
0x23: {  	s9 =	sor.u32 $0xD0000000, s2;
	s6 =	simm.s32 $0x108;
	_ =	swait.ge @!p0 [sflag:s8], $0x0  }
0x24: {  	s3 =	sadd.s32 $0x88, s3;
	s6 =	simm.s32 @!p1 $0x1082;
	[sflag:s4] =	ssyncset.s32 $0xFFFFF086  }
0x25: {  	[simem:s6], [sflag:s4] =	dma.local [hbm:s3], $0xF7A  }
0x26: {  	[smem:$0x3F9F] =	sst s1;
	(tag) =	ssettag s2;
	_ =	strace s9  }
0x27: {  	s1 =	sld [smem:$0x3FAF]  }
0x28: {  	s2 =	sld [smem:$0x3FB0]  }
0x29: {  	s4 =	sld [smem:$0x3FB2]  }
0x2a: {  	p0 =	seq.s32 s5, $0x0;
	s5 =	sld [smem:$0x3FB3]  }
0x2b: {  	s6 =	sld [smem:$0x3FB4]  }
0x2c: {  	s7 =	sld [smem:$0x3FB5]  }
0x2d: {  	s3 =	simm.s32 $0x108;
	s8 =	sld [smem:$0x3FB6]  }
0x2e: {  	s3 =	simm.s32 @!p0 $0x1082;
	s9 =	sld [smem:$0x3FB7]  }
0x2f: {  	lr =	sadd.s32 s0, s3;
	s0 =	sld [smem:$0x3FAE]  }
0x30: {  	s3 =	sld [smem:$0x3FB1]  }
0x31: {  	[smem:$0x3FBA] =	sst s10  }
0x32: {  	s10 =	sld [smem:$0x3FB8];
	_ =	sdelay $0x3  }
0x33: {  	p0 =	seq.s32 s10, $0x1;
	s10 =	sld [smem:$0x3FBA];
	_ =	sdelay $0x3  }
0x34: {  	[smem:$0x3FBA] =	sst s10  }
0x35: {  	s10 =	sld [smem:$0x3FB9];
	_ =	sdelay $0x3  }
0x36: {  	p1 =	seq.s32 s10, $0x1;
	s10 =	sld [smem:$0x3FBA];
	_ =	sdelay $0x3  }
0x37: {  	[smem:$0x3FBA] =	sst s10  }
0x38: {  	s10 =	sld [smem:$0x3FBB]  }
0x39: {  	_ = 	snop;
	(pc) =	sbr.ind lr, $3  }
0x3a: {  	_ = 	snop  }
0x3b: {  	_ = 	snop  }
0x3c: {  	p2 =	seq.s32 s10, $0x1;
	s10 =	sld [smem:$0x3FBA]  }
0x3d: {  	_ =	shalt  }
0x3e: {  	_ =	shalt  }
0x3f: {  	_ =	shalt  }
0x40: {  	_ =	shalt  }
0x41: {  	_ =	shalt  }
0x42: {  	_ =	shalt  }
0x43: {  	_ =	shalt  }
0x44: {  	_ =	shalt  }
0x45: {  	_ =	shalt  }
0x46: {  	_ =	shalt  }
0x47: {  	_ =	shalt  }
0x48: {  	_ =	shalt  }
0x49: {  	_ =	shalt  }
0x4a: {  	_ =	shalt  }
0x4b: {  	_ =	shalt  }
0x4c: {  	_ =	shalt  }
0x4d: {  	_ =	shalt  }
0x4e: {  	_ =	shalt  }
0x4f: {  	_ =	shalt  }
0x50: {  	_ =	shalt  }
0x51: {  	_ =	shalt  }
0x52: {  	_ =	shalt  }
0x53: {  	_ =	shalt  }
0x54: {  	_ =	shalt  }
0x55: {  	_ =	shalt  }
0x56: {  	_ =	shalt  }
0x57: {  	_ =	shalt  }
0x58: {  	_ =	shalt  }
0x59: {  	_ =	shalt  }
0x5a: {  	_ =	shalt  }
0x5b: {  	_ =	shalt  }
0x5c: {  	_ =	shalt  }
0x5d: {  	_ =	shalt  }
0x5e: {  	_ =	shalt  }
0x5f: {  	_ =	shalt  }
0x60: {  	_ =	shalt  }
0x61: {  	_ =	shalt  }
0x62: {  	_ =	shalt  }
0x63: {  	_ =	shalt  }
0x64: {  	_ =	shalt  }
0x65: {  	_ =	shalt  }
0x66: {  	_ =	shalt  }
0x67: {  	_ =	shalt  }
0x68: {  	_ =	shalt  }
0x69: {  	_ =	shalt  }
0x6a: {  	_ =	shalt  }
0x6b: {  	_ =	shalt  }
0x6c: {  	_ =	shalt  }
0x6d: {  	_ =	shalt  }
0x6e: {  	_ =	shalt  }
0x6f: {  	_ =	shalt  }
0x70: {  	_ =	shalt  }
0x71: {  	_ =	shalt  }
0x72: {  	_ =	shalt  }
0x73: {  	_ =	shalt  }
0x74: {  	_ =	shalt  }
0x75: {  	_ =	shalt  }
0x76: {  	_ =	shalt  }
0x77: {  	_ =	shalt  }
0x78: {  	_ =	shalt  }
0x79: {  	_ =	shalt  }
0x7a: {  	_ =	shalt  }
0x7b: {  	_ =	shalt  }
0x7c: {  	_ =	shalt  }
0x7d: {  	_ =	shalt  }
0x7e: {  	_ =	shalt  }
0x7f: {  	_ =	shalt  }
0x80: {  	_ =	shalt  }
0x81: {  	_ =	shalt  }
0x82: {  	_ =	shalt  }
0x83: {  	_ =	shalt  }
0x84: {  	_ =	shalt  }
0x85: {  	_ =	shalt  }
0x86: {  	_ =	shalt  }
0x87: {  	_ =	shalt  }
.Lfunc_end0:
.L_simem_size_0:
called_computation_lowered:
.L_overlay_start_0:
0x88: {  	s2 =	sld [smem:$0x3FD9]  }
0x89: {  	s3 =	sld [smem:$0x3FFE];
	_ =	sdelay $0x1  }
0x8a: {  	s1 =	srdreg.scid  }
0x8b: {  	s0 =	sand.u32 $0x1, s1  }
0x8c: {  	s17 =	sshll.u32 s0, $0xA;
	s2 =	sadd.s32 s3, s2  }
0x8d: {  	s2 =	sadd.s32 s2, s17  }
0x8e: {  	[smem:$0x3FC6] =	sst s2  }
0x8f: {  	_ = 	snop  }
0x90: {  	s2 =	sld [smem:$0x3FC9];
	(tm) =	ssettm $0x1  }
0x91: {  	s18 =	sld [smem:$0x3FFB];
	_ =	sdelay $0x3  }
0x92: {  	_ =	strace s18  }
0x93: {  	s3 =	sld [smem:$0x3FFC];
	_ =	sdelay $0x3  }
0x94: {  	_ =	strace s3  }
0x95: {  	s3 =	sld [smem:$0x3FFD];
	_ =	sdelay $0x3  }
0x96: {  	_ =	strace s3  }
0x97: {  	_ =	strace $0x8FFFFFFF  }
0x98: {  	s19 =	sld [smem:$0x3FDB];
	_ =	sdelay $0x1  }
0x99: {  	s4 =	simm.s32 $_scs_section_size  }
0x9a: {  	s5 =	simm.s32 $_size__tile_overlayer_lowered;
	s6 =	simm.s32 $_tile_overlayer_lowered  }
0x9b: {  	s22 =	simm.s32 $0x1BFF;
	s21 =	sshll.u32 s6, $0x1;
	s3 =	sadd.s32 s4, s19  }
0x9c: {  	s7 =	simm.s32 $0x0;
	s20 =	sshll.u32 s5, $0x1;
	s5 =	sadd.s32 s21, s3  }
0x9d: {  	[timem:s7], [sflag:s22] =	dma.local [hbm:s5], s20  }
0x9e: {  	_ =	swait.ge [sflag:s22], s20  }
0x9f: {  	s4 =	ssub.s32 $0x0, s20;
	[sflag:s22] =	ssyncset.done $0x0  }
0xa0: {  	[sflag:s22] =	ssyncadd.s32 s4;
	_ =	sdelay $0x1  }
0xa1: {  	s23 =	simm.s32 $0x1B8B  }
0xa2: {  	_ =	swait.ge [sflag:s23], $0x1  }
0xa3: {  	[sflag:s23] =	ssyncset.done $0x0  }
0xa4: {  	s25 =	simm.s32 $0x1B8E;
	s24 =	sld [smem:$0x3FFE];
	[sflag:s23] =	ssyncadd.s32 $0xFFFFFFFF  }
0xa5: {  	s26 =	simm.s32 $execute0_lowered;
	[smem:$0x3FD2] =	sst s25  }
0xa6: {  	s5 =	sshll.u32 s26, $0x1;
	_ =	strace $0x80000046;
	[dreg:$0x1] =	wrdreg $0xFFFFFFFF  }
0xa7: {  	s28 =	simm.s32 $_size_execute0_lowered;
	s3 =	sadd.s32 s3, s5;
	[dreg:$0x0] =	wrdreg $0x0  }
0xa8: {  	s5 =	sshll.u32 s28, $0x1;
	[dreg:$0x2] =	wrdreg s3  }
0xa9: {  	[dreg:$0x3] =	wrdreg s5  }
0xaa: {  	[dreg:$0x4] =	wrdreg $0xC0  }
0xab: {  	_ =	task [dreg:s7], $0x5FFFF  }
0xac: {  	[dreg:$0x1] =	wrdreg $0xFFFFFFFF  }
0xad: {  	[dreg:$0x0] =	wrdreg $0x60  }
0xae: {  	[dreg:$0x2] =	wrdreg s2  }
0xaf: {  	[dreg:$0x3] =	wrdreg s24  }
0xb0: {  	[dreg:$0x4] =	wrdreg $0x9  }
0xb1: {  	_ =	task.clear_ibuf [dreg:s7], $0x5FFFF;
	_ =	strace $0x90000046  }
0xb2: {  	s29 =	simm.s32 $0x9;
	_ =	strace $0x80000048  }
0xb3: {  	_ =	swait.ge [sflag:s29], $0x1  }
0xb4: {  	[sflag:s29] =	ssyncadd.s32 $0xFFFFFFFF  }
0xb5: {  	_ =	strace $0x90000048  }
0xb6: {  	_ =	sfence  }
0xb7: {  	s30 =	sld [smem:$0x0];
	_ =	sdelay $0x2  }
0xb8: {  	s31 =	sshll.u32 s1, $0xD;
	s1 =	sshrl.u32 s1, $0x2  }
0xb9: {  	s3 =	sand.u32 $0x4000, s31;
	s1 =	sadd.s32 s1, s30  }
0xba: {  	s0 =	sor.u32 s3, s0;
	s1 =	sshll.u32 s1, $0x11  }
0xbb: {  	s0 =	sor.u32 s1, s0  }
0xbc: {  	s0 =	sadd.s32 $0x8F2B, s0  }
0xbd: {  	[sflag:s0] =	ssyncadd.remote.s32 $0x1  }
0xbe: {  	_ =	sfence.sel $0xFFFF  }
0xbf: {  	[dreg:$0x0] =	wrdreg $0xFFFFFFFF;
	(pc) =	sbr.abs _section_cstart, $3  }
0xc0: {  	[dreg:$0x1] =	wrdreg $0xFFFFFFFF  }
0xc1: {  	_ =	task.clear_ibuf [dreg:s7], $0x2FFFF;
	_ =	strace $0x9FFFFFFF  }
0xc2: {  	(tm) =	ssettm $0x7FFFFFFF  }
0xc3: {  	_ =	shalt  }
tec
execute0_lowered:
.L_overlay_start_1:
0x0: {  	(tag) =	ssettag $0x1  }
0x1: {  	v0 =	vimm.s32 $0xFEDCBA98;
	v1 =	vimm.s32 $0x76543210  }
0x2: {  	s2 =	srdreg.scid;
	s1 =	rddreg [dreg:$0x0];
	v2 =	vimm.s32 $0xBA98FEDC;
	v3 =	vimm.s32 $0x32107654;
	v4 =	vimm.s32 $0xDCFE98BA  }
0x3: {  	s0 =	stileid.u32;
	s3 =	rddreg [dreg:$0x1];
	v5 =	vimm.s32 $0x54761032;
	v6 =	vimm.s32 $0xEFCDAB89;
	v7 =	vimm.s32 $0x67452301  }
0x4: {  	s4 =	simm.s32 $0x0;
	s12 =	simm.s32 $0x1000;
	s13 =	simm.s32 $0x2000;
	v0 =	vunpack.c.l.s4.s8 v0;
	v1 =	vunpack.c.l.s4.s8 v1;
	v2 =	vunpack.c.l.s4.s8 v2  }
0x5: {  	s6 =	sand.u32 $0x1, s2;
	s30 =	sshll.u32 s0, $0x1;
	v3 =	vunpack.c.l.s4.s8 v3;
	v4 =	vunpack.c.l.s4.s8 v4;
	s8 =	smul.u32 $0xC0000, s0;
	v5 =	vunpack.c.l.s4.s8 v5  }
0x6: {  	s14 =	simm.s32 $0x0;
	v6 =	vunpack.c.l.s4.s8 v6;
	v7 =	vunpack.c.l.s4.s8 v7;
	s5 =	sor.u32 s6, s30;
	s11 =	smul.u32 $0x60000, s6;
	v0 =	vunpack.c.0.s8.s32 v0  }
0x7: {  	[smem:$0x7FF] =	sst s4;
	s7 =	ssub.s32 $0x2, s6;
	v1 =	vunpack.c.0.s8.s32 v1;
	s5 =	smul.u32 $0x60, s5;
	v2 =	vunpack.c.0.s8.s32 v2;
	v3 =	vunpack.c.0.s8.s32 v3  }
0x8: {  	s2 =	rddreg [dreg:$0x2];
	_ =	strace $0x80000047;
	s10 =	sshrl.u32 s7, $0x1;
	v4 =	vunpack.c.0.s8.s32 v4;
	v5 =	vunpack.c.0.s8.s32 v5;
	v0 =	vand.u32 $0xF, v0  }
0x9: {  	v6 =	vunpack.c.0.s8.s32 v6;
	v7 =	vunpack.c.0.s8.s32 v7;
	s7 =	ssub.s32 s7, s10;
	s8 =	sadd.s32 s11, s8;
	s9 =	sshrl.u32 s5, $0x3;
	v0 =	vcombine.low v0, v1  }
0xa: {  	s10 =	simm.s32 $0x400;
	s11 =	simm.s32 $0x1;
	s31 =	sadd.s32 s9, s3;
	v1 =	vcombine.low v3, v2;
	v2 =	vcombine.low v5, v4;
	v3 =	vlaneseq.u32  }
0xb: {  	s7 =	smax.u32 s7, $0x1;
	s9 =	simm.s32 $0x80;
	v4 =	vcombine.low v7, v6;
	v6 =	vimm.s32 $0x0;
	s6 =	sadd.s32 $0x180000, s31;
	v5 =	vadd.s32 $0x2A, v3  }
.LBB2_1:
0xc: {  	v7 =	vimm.f32 $0.0e+00;
	s15 =	smov.u32 s8;
	s16 =	simm.s32 $0x0  }
.LBB2_2:
0xd: {  	s17 =	sadd.s32 s5, s16  }
0xe: {  	s18 =	sshll.u32 s16, $0x4;
	s17 =	sshll.u32 s17, $0x9  }
0xf: {  	s18 =	sand.u32 $0x70, s18;
	s17 =	sand.u32 $0xFFFF000, s17  }
0x10: {  	s17 =	sor.u32 s18, s17  }
0x11: {  	s19 =	simm.s32 $0x0;
	s18 =	sadd.s32 s1, s17  }
0x12: {  	[tilespmem:s19], [sflag:$0x1] =	stream.strided.gather [hbm4b:s18+s9], $0x1000, s10, s9, $0x38;
	[tilespmem:$0x2080] =	vst v63  }
0x13: {  	_ =	swait.ge [sflag:s11], $0x1000  }
0x14: {  	[sflag:s11] =	ssyncset.done $0x0  }
0x15: {  	s17 =	sadd.s32 s3, s17;
	[sflag:s11] =	ssyncadd.s32 $0xFFFFF000  }
0x16: {  	[tilespmem:s12], [sflag:$0x1] =	stream.strided.gather [hbm4b:s17+s9], $0x1000, s10, s9, $0x38;
	[tilespmem:$0x2080] =	vst v63  }
0x17: {  	_ =	swait.ge [sflag:s11], $0x1000  }
0x18: {  	[sflag:s11] =	ssyncset.done $0x0  }
0x19: {  	s18 =	simm.s32 $0x0;
	[sflag:s11] =	ssyncadd.s32 $0xFFFFF000  }
0x1a: {  	v8 =	vld [tilespmem:s18+$0x1000]  }
0x1b: {  	v9 =	vld [tilespmem:s18+$0x0];
	_ =	sdelay $0x3  }
0x1c: {  	vm0 =	veq.s32 v8, $0x0  }
0x1d: {  	s19 =	simm.s32 $0x80;
	s17 =	simm.s32 $0x10;
	v8 =	vimm.f32 $-1.000000000e+09;
	v9 =	vsel vm0, $0xCE6E6B28, v9  }
.LBB2_3:
0x1e: {  	p0 =	sne.s32 s19, $0x3FC0;
	v10 =	vld [tilespmem:s17+$0x1000];
	[tilespmem:s18+$0x0] =	vst v9;
	v8 =	vmax.f32 v8, v9;
	s18 =	smov.u32 s17  }
0x1f: {  	v9 =	vld [tilespmem:s18+$0x0]  }
.Ltmp0:
0x20: {  	(pc) =	sbr.rel @p0 .LBB2_3-.Ltmp0, $3  }
0x21: {  	_ =	sdelay $0x1  }
0x22: {  	vm0 =	veq.s32 v10, $0x0  }
0x23: {  	s17 =	sshra.s32 s19, $0x2;
	s19 =	sadd.s32 $0x40, s19;
	v9 =	vsel vm0, $0xCE6E6B28, v9  }
0x24: {  	v10 =	vadd.s32 s15, v5  }
0x25: {  	v11 =	vshrl.u32 v10, $0x13;
	v12 =	vshll.u32 v10, $0xD  }
0x26: {  	v11 =	vor.u32 v11, v12  }
0x27: {  	v11 =	vxor.u32 v10, v11  }
0x28: {  	v12 =	vshrl.u32 v11, $0x11;
	v13 =	vshll.u32 v11, $0xF  }
0x29: {  	v10 =	vadd.s32 v10, v11;
	v11 =	vor.u32 v12, v13  }
0x2a: {  	v11 =	vxor.u32 v11, v10  }
0x2b: {  	v12 =	vshrl.u32 v11, $0x6;
	v13 =	vshll.u32 v11, $0x1A  }
0x2c: {  	v10 =	vadd.s32 v10, v11;
	v11 =	vor.u32 v12, v13  }
0x2d: {  	v11 =	vxor.u32 v11, v10  }
0x2e: {  	v12 =	vshrl.u32 v11, $0x1A;
	v13 =	vshll.u32 v11, $0x6  }
0x2f: {  	v10 =	vadd.s32 v10, v11;
	v11 =	vor.u32 v12, v13  }
0x30: {  	v11 =	vxor.u32 v11, v10  }
0x31: {  	v11 =	vadd.s32 $0x1BD11BF1, v11  }
0x32: {  	v10 =	vadd.s32 v11, v10;
	v12 =	vshrl.u32 v11, $0xF;
	v11 =	vshll.u32 v11, $0x11  }
0x33: {  	v10 =	vadd.s32 $0x2A, v10;
	v11 =	vor.u32 v12, v11  }
0x34: {  	v11 =	vxor.u32 v11, v10  }
0x35: {  	v12 =	vshrl.u32 v11, $0x3;
	v13 =	vshll.u32 v11, $0x1D  }
0x36: {  	v10 =	vadd.s32 v10, v11;
	v11 =	vor.u32 v12, v13  }
0x37: {  	v11 =	vxor.u32 v11, v10  }
0x38: {  	v12 =	vshrl.u32 v11, $0x10;
	v13 =	vshll.u32 v11, $0x10  }
0x39: {  	v10 =	vadd.s32 v10, v11;
	v11 =	vor.u32 v12, v13  }
0x3a: {  	v11 =	vxor.u32 v11, v10  }
0x3b: {  	v12 =	vshrl.u32 v11, $0x8;
	v13 =	vshll.u32 v11, $0x18  }
0x3c: {  	v10 =	vadd.s32 v10, v11;
	v11 =	vor.u32 v12, v13  }
0x3d: {  	v11 =	vxor.u32 v11, v10  }
0x3e: {  	v11 =	vadd.s32 $0x2, v11  }
0x3f: {  	v10 =	vadd.s32 v11, v10;
	v12 =	vshrl.u32 v11, $0x13;
	v11 =	vshll.u32 v11, $0xD  }
0x40: {  	v10 =	vadd.s32 $0x1BD11BF0, v10;
	v11 =	vor.u32 v12, v11  }
0x41: {  	v11 =	vxor.u32 v11, v10  }
0x42: {  	v12 =	vshrl.u32 v11, $0x11;
	v13 =	vshll.u32 v11, $0xF  }
0x43: {  	v10 =	vadd.s32 v10, v11;
	v11 =	vor.u32 v12, v13  }
0x44: {  	v11 =	vxor.u32 v11, v10  }
0x45: {  	v12 =	vshrl.u32 v11, $0x6;
	v13 =	vshll.u32 v11, $0x1A  }
0x46: {  	v10 =	vadd.s32 v10, v11;
	v11 =	vor.u32 v12, v13  }
0x47: {  	v11 =	vxor.u32 v11, v10  }
0x48: {  	v12 =	vshrl.u32 v11, $0x1A;
	v13 =	vshll.u32 v11, $0x6  }
0x49: {  	v10 =	vadd.s32 v10, v11;
	v11 =	vor.u32 v12, v13  }
0x4a: {  	v11 =	vxor.u32 v11, v10  }
0x4b: {  	v11 =	vadd.s32 $0x2D, v11  }
0x4c: {  	v12 =	vshrl.u32 v11, $0xF;
	v13 =	vshll.u32 v11, $0x11  }
0x4d: {  	v10 =	vadd.s32 v10, v11;
	v11 =	vor.u32 v12, v13  }
0x4e: {  	v11 =	vxor.u32 v11, v10  }
0x4f: {  	v12 =	vshrl.u32 v11, $0x3;
	v13 =	vshll.u32 v11, $0x1D  }
0x50: {  	v10 =	vadd.s32 v10, v11;
	v11 =	vor.u32 v12, v13  }
0x51: {  	v11 =	vxor.u32 v11, v10  }
0x52: {  	v12 =	vshrl.u32 v11, $0x10;
	v13 =	vshll.u32 v11, $0x10  }
0x53: {  	v10 =	vadd.s32 v10, v11;
	v11 =	vor.u32 v12, v13  }
0x54: {  	v11 =	vxor.u32 v11, v10  }
0x55: {  	v12 =	vshrl.u32 v11, $0x8;
	v13 =	vshll.u32 v11, $0x18  }
0x56: {  	v10 =	vadd.s32 v10, v11;
	v11 =	vor.u32 v12, v13  }
0x57: {  	v11 =	vxor.u32 v11, v10  }
0x58: {  	v11 =	vadd.s32 $0x1BD11BF4, v11  }
0x59: {  	v10 =	vadd.s32 v11, v10;
	v12 =	vshrl.u32 v11, $0x13;
	v11 =	vshll.u32 v11, $0xD  }
0x5a: {  	v10 =	vadd.s32 $0x2A, v10;
	v11 =	vor.u32 v12, v11  }
0x5b: {  	v11 =	vxor.u32 v11, v10  }
0x5c: {  	v12 =	vshrl.u32 v11, $0x11;
	v13 =	vshll.u32 v11, $0xF  }
0x5d: {  	v10 =	vadd.s32 v10, v11;
	v11 =	vor.u32 v12, v13  }
0x5e: {  	v11 =	vxor.u32 v11, v10  }
0x5f: {  	v12 =	vshrl.u32 v11, $0x6;
	v13 =	vshll.u32 v11, $0x1A  }
0x60: {  	v10 =	vadd.s32 v10, v11;
	v11 =	vor.u32 v12, v13  }
0x61: {  	v11 =	vxor.u32 v11, v10  }
0x62: {  	v12 =	vshrl.u32 v11, $0x1A;
	v13 =	vshll.u32 v11, $0x6  }
0x63: {  	v10 =	vadd.s32 v10, v11;
	v11 =	vor.u32 v12, v13  }
0x64: {  	s19 =	sadd.s32 $0x10, s15;
	v11 =	vxor.u32 v11, v10  }
0x65: {  	v12 =	vadd.s32 s19, v5;
	v10 =	vadd.s32 $0x1BD11BF0, v10;
	v11 =	vadd.s32 $0x5, v11  }
0x66: {  	v13 =	vshrl.u32 v12, $0x13;
	v14 =	vshll.u32 v12, $0xD;
	v10 =	vxor.u32 v10, v11  }
0x67: {  	v11 =	vor.u32 v13, v14;
	v10 =	vshrl.u32 v10, $0x9  }
0x68: {  	v11 =	vxor.u32 v12, v11;
	v10 =	vor.u32 $0x3F800000, v10  }
0x69: {  	v13 =	vshrl.u32 v11, $0x11;
	v14 =	vshll.u32 v11, $0xF;
	v10 =	vadd.f32 $-1.000000000e+00, v10  }
0x6a: {  	v11 =	vadd.s32 v12, v11;
	v12 =	vor.u32 v13, v14  }
0x6b: {  	v12 =	vxor.u32 v12, v11;
	v10 =	vadd.f32 $1.175494350e-38, v10  }
0x6c: {  	v13 =	vshrl.u32 v12, $0x6;
	v14 =	vshll.u32 v12, $0x1A  }
0x6d: {  	v11 =	vadd.s32 v11, v12;
	v12 =	vor.u32 v13, v14;
	v13 =	vand.u32 $0x7FFFFF, v10  }
0x6e: {  	v12 =	vxor.u32 v12, v11;
	v13 =	vor.u32 $0x3F800000, v13  }
0x6f: {  	v14 =	vshrl.u32 v12, $0x1A;
	v15 =	vshll.u32 v12, $0x6;
	v16 =	vmul.f32 $5.000000000e-01, v13  }
0x70: {  	v11 =	vadd.s32 v11, v12;
	v12 =	vor.u32 v14, v15;
	vm0 =	vge.f32 v13, $1.414213540e+00  }
0x71: {  	v12 =	vxor.u32 v12, v11;
	v13 =	vsel vm0, v16, v13  }
0x72: {  	v12 =	vadd.s32 $0x1BD11BF1, v12;
	v14 =	vadd.f32 $1.000000000e+00, v13  }
0x73: {  	v11 =	vadd.s32 v12, v11;
	v15 =	vshrl.u32 v12, $0xF;
	v12 =	vshll.u32 v12, $0x11  }
0x74: {  	v11 =	vadd.s32 $0x2A, v11;
	v12 =	vor.u32 v15, v12;
	v15 =	vsub.s32 $0x7EF127EA, v14  }
0x75: {  	v12 =	vxor.u32 v12, v11;
	v16 =	vmul.f32 v15, v14  }
0x76: {  	v17 =	vshrl.u32 v12, $0x3;
	v18 =	vshll.u32 v12, $0x1D  }
0x77: {  	v11 =	vadd.s32 v11, v12;
	v12 =	vor.u32 v17, v18;
	v16 =	vsub.f32 $2.000000000e+00, v16  }
0x78: {  	v12 =	vxor.u32 v12, v11  }
0x79: {  	v17 =	vshrl.u32 v12, $0x10;
	v18 =	vshll.u32 v12, $0x10;
	v15 =	vmul.f32 v15, v16  }
0x7a: {  	v11 =	vadd.s32 v11, v12;
	v12 =	vor.u32 v17, v18  }
0x7b: {  	v19 =	vld [tilespmem:s17+$0x1000];
	v12 =	vxor.u32 v12, v11;
	v16 =	vmul.f32 v15, v14  }
0x7c: {  	v17 =	vshrl.u32 v12, $0x8;
	v18 =	vshll.u32 v12, $0x18  }
0x7d: {  	v11 =	vadd.s32 v11, v12;
	v12 =	vor.u32 v17, v18;
	v16 =	vsub.f32 $2.000000000e+00, v16  }
0x7e: {  	[tilespmem:s18+$0x0] =	vst v9;
	v12 =	vxor.u32 v12, v11  }
0x7f: {  	v17 =	vld [tilespmem:s17+$0x0];
	v12 =	vadd.s32 $0x2, v12;
	v15 =	vmul.f32 v16, v15  }
0x80: {  	v8 =	vmax.f32 v8, v9;
	vm1 =	veq.s32 v19, $0x0;
	v11 =	vadd.s32 v12, v11  }
0x81: {  	v16 =	vshrl.u32 v12, $0x13;
	v12 =	vshll.u32 v12, $0xD;
	v14 =	vmul.f32 v15, v14  }
0x82: {  	v10 =	vshrl.u32 v10, $0x17;
	v11 =	vadd.s32 $0x1BD11BF0, v11;
	v12 =	vor.u32 v16, v12  }
0x83: {  	v13 =	vadd.f32 $-1.000000000e+00, v13;
	v9 =	vxor.u32 v12, v11;
	v14 =	vsub.f32 $2.000000000e+00, v14  }
0x84: {  	v12 =	vsel vm1, $0xCE6E6B28, v17;
	v16 =	vshrl.u32 v9, $0x11;
	v18 =	vshll.u32 v9, $0xF  }
0x85: {  	v9 =	vadd.s32 v11, v9;
	v11 =	vor.u32 v16, v18;
	v14 =	vmul.f32 v14, v15  }
0x86: {  	v10 =	vand.u32 $0xFF, v10;
	v8 =	vmax.f32 v8, v12;
	v11 =	vxor.u32 v11, v9  }
0x87: {  	s31 =	sadd.s32 $0x10, s19;
	v15 =	vshrl.u32 v11, $0x6;
	v16 =	vshll.u32 v11, $0x1A;
	v13 =	vmul.f32 v14, v13  }
0x88: {  	v9 =	vadd.s32 v9, v11;
	v11 =	vor.u32 v15, v16;
	v15 =	vadd.s32 s31, v5  }
0x89: {  	v14 =	vperm.xlane v8, v0;
	v11 =	vxor.u32 v11, v9;
	v18 =	vmul.f32 v13, v13  }
0x8a: {  	v19 =	vshrl.u32 v15, $0x13;
	v16 =	vshrl.u32 v11, $0x1A;
	v17 =	vshll.u32 v11, $0x6  }
0x8b: {  	v9 =	vadd.s32 v9, v11;
	v11 =	vor.u32 v16, v17;
	v17 =	vmul.f32 $1.111111120e-01, v18  }
0x8c: {  	v16 =	vshll.u32 v15, $0xD;
	v8 =	vmax.f32 v8, v14;
	v11 =	vxor.u32 v11, v9  }
0x8d: {  	v14 =	vor.u32 v19, v16;
	v11 =	vadd.s32 $0x2D, v11;
	v17 =	vadd.f32 $1.428571490e-01, v17  }
0x8e: {  	v14 =	vxor.u32 v15, v14;
	v16 =	vshrl.u32 v11, $0xF;
	v19 =	vshll.u32 v11, $0x11  }
0x8f: {  	v9 =	vadd.s32 v9, v11;
	v11 =	vor.u32 v16, v19;
	v17 =	vmul.f32 v17, v18  }
0x90: {  	v13 =	vadd.f32 v13, v13;
	v16 =	vshrl.u32 v14, $0x11;
	v11 =	vxor.u32 v11, v9  }
0x91: {  	v20 =	vshrl.u32 v11, $0x3;
	v21 =	vshll.u32 v11, $0x1D;
	v17 =	vadd.f32 $2.000000030e-01, v17  }
0x92: {  	v19 =	vshll.u32 v14, $0xF;
	v9 =	vadd.s32 v9, v11;
	v11 =	vor.u32 v20, v21  }
0x93: {  	v14 =	vadd.s32 v15, v14;
	v11 =	vxor.u32 v11, v9;
	v17 =	vmul.f32 v17, v18  }
0x94: {  	v15 =	vor.u32 v16, v19;
	v16 =	vshrl.u32 v11, $0x10;
	v19 =	vshll.u32 v11, $0x10  }
0x95: {  	v9 =	vadd.s32 v9, v11;
	v11 =	vor.u32 v16, v19;
	v17 =	vadd.f32 $3.333333430e-01, v17  }
0x96: {  	v15 =	vxor.u32 v15, v14;
	v16 =	vsel vm0, $0x1, v6;
	v11 =	vxor.u32 v11, v9  }
0x97: {  	v10 =	vadd.s32 v16, v10;
	v9 =	vadd.s32 v9, v11;
	v16 =	vmul.f32 v17, v18  }
0x98: {  	v10 =	vor.u32 $0x4B000000, v10;
	v17 =	vshrl.u32 v11, $0x8;
	v11 =	vshll.u32 v11, $0x18  }
0x99: {  	v10 =	vadd.f32 $-8.388735000e+06, v10;
	v11 =	vor.u32 v17, v11;
	v16 =	vadd.f32 $1.000000000e+00, v16  }
0x9a: {  	v14 =	vadd.s32 v14, v15;
	v11 =	vxor.u32 v11, v9  }
0x9b: {  	v10 =	vmul.f32 $6.931471820e-01, v10;
	v11 =	vadd.s32 $0x1BD11BF4, v11;
	v13 =	vmul.f32 v16, v13  }
0x9c: {  	v9 =	vadd.s32 v11, v9;
	v16 =	vshrl.u32 v11, $0x13;
	v11 =	vshll.u32 v11, $0xD  }
0x9d: {  	v17 =	vperm.xlane v8, v1;
	v9 =	vadd.s32 $0x2A, v9;
	v11 =	vor.u32 v16, v11  }
0x9e: {  	v10 =	vadd.f32 v13, v10;
	v13 =	vshrl.u32 v15, $0x6;
	v11 =	vxor.u32 v11, v9  }
0x9f: {  	v15 =	vshll.u32 v15, $0x1A;
	v16 =	vshrl.u32 v11, $0x11;
	v18 =	vshll.u32 v11, $0xF  }
0xa0: {  	v9 =	vadd.s32 v9, v11;
	v19 =	vsub.f32 $0.0e+00, v10;
	v11 =	vor.u32 v16, v18  }
0xa1: {  	v8 =	vmax.f32 v8, v17;
	v10 =	vor.u32 v13, v15;
	v11 =	vxor.u32 v11, v9  }
0xa2: {  	v10 =	vxor.u32 v10, v14;
	v13 =	vand.u32 $0x7FFFFF, v19;
	v15 =	vshrl.u32 v11, $0x6  }
0xa3: {  	v16 =	vshll.u32 v11, $0x1A;
	v9 =	vadd.s32 v9, v11;
	v14 =	vadd.s32 v14, v10  }
0xa4: {  	v19 =	vshrl.u32 v19, $0x17;
	v13 =	vor.u32 $0x3F800000, v13;
	v11 =	vor.u32 v15, v16  }
0xa5: {  	v15 =	vmul.f32 $5.000000000e-01, v13;
	v11 =	vxor.u32 v11, v9;
	vm0 =	vge.f32 v13, $1.414213540e+00  }
0xa6: {  	v16 =	vshrl.u32 v11, $0x1A;
	v18 =	vshll.u32 v11, $0x6;
	v9 =	vadd.s32 v9, v11  }
0xa7: {  	v13 =	vsel vm0, v15, v13;
	v11 =	vor.u32 v16, v18;
	v16 =	vshrl.u32 v10, $0x1A  }
0xa8: {  	v10 =	vshll.u32 v10, $0x6;
	v15 =	vadd.f32 $1.000000000e+00, v13;
	v11 =	vxor.u32 v11, v9  }
0xa9: {  	v9 =	vadd.s32 $0x1BD11BF0, v9;
	v10 =	vor.u32 v16, v10;
	v11 =	vadd.s32 $0x5, v11  }
0xaa: {  	v16 =	vperm.xlane v8, v2;
	v18 =	vsub.s32 $0x7EF127EA, v15;
	v9 =	vxor.u32 v9, v11  }
0xab: {  	v10 =	vxor.u32 v10, v14;
	v11 =	vmul.f32 v18, v15;
	v9 =	vshrl.u32 v9, $0x9  }
0xac: {  	v10 =	vadd.s32 $0x1BD11BF1, v10;
	v8 =	vmax.f32 v8, v16;
	v9 =	vor.u32 $0x3F800000, v9  }
0xad: {  	v14 =	vadd.s32 v10, v14;
	v11 =	vsub.f32 $2.000000000e+00, v11;
	v9 =	vadd.f32 $-1.000000000e+00, v9  }
0xae: {  	v17 =	vshrl.u32 v10, $0xF;
	v10 =	vshll.u32 v10, $0x11;
	v14 =	vadd.s32 $0x2A, v14  }
0xaf: {  	v10 =	vor.u32 v17, v10;
	v11 =	vmul.f32 v18, v11;
	v16 =	vadd.f32 $1.175494350e-38, v9  }
0xb0: {  	v13 =	vadd.f32 $-1.000000000e+00, v13;
	v17 =	vperm.xlane v8, v4;
	v9 =	vxor.u32 v10, v14  }
0xb1: {  	v18 =	vshrl.u32 v9, $0x3;
	v10 =	vmul.f32 v11, v15;
	v20 =	vand.u32 $0x7FFFFF, v16  }
0xb2: {  	v21 =	vshll.u32 v9, $0x1D;
	v9 =	vadd.s32 v14, v9;
	v20 =	vor.u32 $0x3F800000, v20  }
0xb3: {  	v14 =	vor.u32 v18, v21;
	v10 =	vsub.f32 $2.000000000e+00, v10;
	v18 =	vmul.f32 $5.000000000e-01, v20  }
0xb4: {  	v8 =	vmax.f32 v8, v17;
	v16 =	vshrl.u32 v16, $0x17;
	vm1 =	vge.f32 v20, $1.414213540e+00  }
0xb5: {  	v14 =	vxor.u32 v14, v9;
	v10 =	vmul.f32 v10, v11;
	v17 =	vsel vm1, v18, v20  }
0xb6: {  	v16 =	vand.u32 $0xFF, v16;
	v9 =	vadd.s32 v9, v14;
	v20 =	vadd.f32 $1.000000000e+00, v17  }
0xb7: {  	v11 =	vshrl.u32 v14, $0x10;
	v18 =	vshll.u32 v14, $0x10;
	v15 =	vmul.f32 v10, v15  }
0xb8: {  	v62 =	vsel vm1, $0x1, v6;
	v14 =	vor.u32 v11, v18;
	v21 =	vsub.s32 $0x7EF127EA, v20  }
0xb9: {  	v14 =	vxor.u32 v14, v9;
	v15 =	vsub.f32 $2.000000000e+00, v15;
	v23 =	vmul.f32 v21, v20  }
0xba: {  	v22 =	vshrl.u32 v14, $0x8;
	v24 =	vshll.u32 v14, $0x18;
	v9 =	vadd.s32 v9, v14  }
0xbb: {  	v14 =	vor.u32 v22, v24;
	v15 =	vmul.f32 v15, v10;
	v22 =	vsub.f32 $2.000000000e+00, v23  }
0xbc: {  	v19 =	vand.u32 $0xFF, v19;
	v16 =	vadd.s32 v62, v16;
	v14 =	vxor.u32 v14, v9  }
0xbd: {  	v14 =	vadd.s32 $0x2, v14;
	v13 =	vmul.f32 v15, v13;
	v21 =	vmul.f32 v21, v22  }
0xbe: {  	v11 =	vimm.f32 $0.0e+00;
	v9 =	vadd.s32 v14, v9;
	v48 =	vshrl.u32 v14, $0x13  }
0xbf: {  	v14 =	vshll.u32 v14, $0xD;
	v22 =	vmul.f32 v13, v13;
	v25 =	vmul.f32 v21, v20  }
0xc0: {  	v18 =	vimm.f32 $-Inf;
	v9 =	vadd.s32 $0x1BD11BF0, v9;
	v14 =	vor.u32 v48, v14  }
0xc1: {  	v14 =	vxor.u32 v14, v9;
	v26 =	vmul.f32 $1.111111120e-01, v22;
	v50 =	vsub.f32 $2.000000000e+00, v25  }
0xc2: {  	v17 =	vadd.f32 $-1.000000000e+00, v17;
	v16 =	vor.u32 $0x4B000000, v16;
	v51 =	vshrl.u32 v14, $0x11  }
0xc3: {  	v27 =	vshll.u32 v14, $0xF;
	v26 =	vadd.f32 $1.428571490e-01, v26;
	v21 =	vmul.f32 v50, v21  }
0xc4: {  	v16 =	vadd.f32 $-8.388735000e+06, v16;
	v14 =	vadd.s32 v9, v14;
	v25 =	vor.u32 v51, v27  }
0xc5: {  	v52 =	vxor.u32 v25, v14;
	v53 =	vmul.f32 v26, v22;
	v20 =	vmul.f32 v21, v20  }
0xc6: {  	v16 =	vmul.f32 $6.931471820e-01, v16;
	v10 =	vimm.s32 $0x0;
	v54 =	vshrl.u32 v52, $0x6  }
0xc7: {  	s22 =	sadd.s32 $0x10, s31;
	v55 =	vshll.u32 v52, $0x1A;
	v25 =	vadd.f32 $2.000000030e-01, v53;
	v20 =	vsub.f32 $2.000000000e+00, v20  }
0xc8: {  	v23 =	vadd.s32 s22, v5;
	v14 =	vadd.s32 v14, v52;
	v56 =	vor.u32 v54, v55  }
0xc9: {  	v24 =	vxor.u32 v56, v14;
	v25 =	vmul.f32 v25, v22;
	v20 =	vmul.f32 v20, v21  }
0xca: {  	v49 =	vshll.u32 v23, $0xD;
	v15 =	vshrl.u32 v23, $0x13;
	v14 =	vadd.s32 v14, v24  }
0xcb: {  	v21 =	vsel vm0, $0x1, v6;
	v25 =	vadd.f32 $3.333333430e-01, v25;
	v17 =	vmul.f32 v20, v17  }
0xcc: {  	v57 =	vshrl.u32 v24, $0x1A;
	v24 =	vshll.u32 v24, $0x6;
	v19 =	vadd.s32 v21, v19  }
0xcd: {  	v20 =	vor.u32 v57, v24;
	v21 =	vmul.f32 v25, v22;
	v22 =	vmul.f32 v17, v17  }
0xce: {  	v15 =	vor.u32 v15, v49;
	v13 =	vadd.f32 v13, v13;
	v20 =	vxor.u32 v20, v14  }
0xcf: {  	v19 =	vor.u32 $0x4B000000, v19;
	v20 =	vadd.s32 $0x2D, v20;
	v60 =	vmul.f32 $1.111111120e-01, v22  }
0xd0: {  	v19 =	vadd.f32 $-8.388735000e+06, v19;
	v59 =	vshrl.u32 v20, $0xF;
	v21 =	vadd.f32 $1.000000000e+00, v21  }
0xd1: {  	[tilespmem:s17+$0x0] =	vst v12;
	v12 =	vshll.u32 v20, $0x11;
	v14 =	vadd.s32 v14, v20;
	v20 =	vadd.f32 $1.428571490e-01, v60  }
0xd2: {  	s17 =	simm.s32 $0x0;
	v15 =	vxor.u32 v23, v15;
	v19 =	vmul.f32 $6.931471820e-01, v19;
	v21 =	vmul.f32 v21, v13  }
0xd3: {  	v23 =	vadd.s32 v23, v15;
	v12 =	vor.u32 v59, v12;
	v13 =	vld [tilespmem:s17+$0x0];
	v20 =	vmul.f32 v20, v22  }
0xd4: {  	v58 =	vshrl.u32 v15, $0x11;
	v12 =	vxor.u32 v12, v14;
	v19 =	vadd.f32 v21, v19  }
0xd5: {  	v61 =	vshll.u32 v12, $0x1D;
	v21 =	vshrl.u32 v12, $0x3;
	v20 =	vadd.f32 $2.000000030e-01, v20  }
0xd6: {  	v12 =	vadd.s32 v14, v12;
	v14 =	vor.u32 v21, v61;
	v19 =	vsub.f32 $0.0e+00, v19  }
0xd7: {  	v15 =	vshll.u32 v15, $0xF;
	v14 =	vxor.u32 v14, v12;
	v20 =	vmul.f32 v20, v22  }
0xd8: {  	v15 =	vor.u32 v58, v15;
	v21 =	vadd.s32 v12, v14;
	v19 =	vadd.f32 v13, v19  }
0xd9: {  	v12 =	vshrl.u32 v14, $0x10;
	v14 =	vshll.u32 v14, $0x10;
	v20 =	vadd.f32 $3.333333430e-01, v20  }
0xda: {  	v15 =	vxor.u32 v15, v23;
	v14 =	vor.u32 v12, v14;
	vm0 =	vgt.f32 v19, v18  }
0xdb: {  	v14 =	vxor.u32 v14, v21;
	v12 =	vsel vm0, v19, v18;
	v19 =	vmul.f32 v20, v22  }
0xdc: {  	v18 =	vadd.s32 v21, v14;
	v20 =	vshrl.u32 v14, $0x8;
	v14 =	vshll.u32 v14, $0x18  }
0xdd: {  	v17 =	vadd.f32 v17, v17;
	v14 =	vor.u32 v20, v14;
	v19 =	vadd.f32 $1.000000000e+00, v19  }
0xde: {  	v9 =	vimm.f32 $-1.000000000e+09;
	v20 =	vadd.s32 v23, v15;
	v14 =	vxor.u32 v14, v18  }
0xdf: {  	v23 =	vsub.f32 v13, v8;
	v14 =	vadd.s32 $0x1BD11BF4, v14;
	v17 =	vmul.f32 v19, v17  }
0xe0: {  	v18 =	vadd.s32 v14, v18;
	v19 =	vshrl.u32 v14, $0x13;
	v14 =	vshll.u32 v14, $0xD  }
0xe1: {  	v18 =	vadd.s32 $0x2A, v18;
	v14 =	vor.u32 v19, v14;
	v16 =	vadd.f32 v17, v16  }
0xe2: {  	v17 =	vshrl.u32 v15, $0x6;
	v15 =	vshll.u32 v15, $0x1A;
	v19 =	vxor.u32 v14, v18  }
0xe3: {  	v21 =	vshrl.u32 v19, $0x11;
	v22 =	vshll.u32 v19, $0xF;
	v14 =	vsub.f32 $0.0e+00, v16  }
0xe4: {  	v15 =	vor.u32 v17, v15;
	v16 =	vadd.s32 v18, v19;
	v17 =	vor.u32 v21, v22  }
0xe5: {  	v18 =	vxor.u32 v15, v20;
	v15 =	vxor.u32 v17, v16;
	v17 =	vand.u32 $0x7FFFFF, v14  }
0xe6: {  	v19 =	vshrl.u32 v15, $0x6;
	v21 =	vshll.u32 v15, $0x1A;
	v17 =	vor.u32 $0x3F800000, v17  }
0xe7: {  	v16 =	vadd.s32 v16, v15;
	v15 =	vor.u32 v19, v21;
	v19 =	vmul.f32 $5.000000000e-01, v17  }
0xe8: {  	v21 =	vadd.s32 v20, v18;
	v20 =	vxor.u32 v15, v16;
	vm1 =	vge.f32 v17, $1.414213540e+00  }
0xe9: {  	v22 =	vshrl.u32 v20, $0x1A;
	v63 =	vshll.u32 v20, $0x6;
	v15 =	vsel vm1, v19, v17  }
0xea: {  	v17 =	vadd.s32 v16, v20;
	v19 =	vor.u32 v22, v63;
	v16 =	vadd.f32 $1.000000000e+00, v15  }
0xeb: {  	v20 =	vshrl.u32 v18, $0x1A;
	v22 =	vshll.u32 v18, $0x6;
	v18 =	vxor.u32 v19, v17  }
0xec: {  	v17 =	vadd.s32 $0x1BD11BF0, v17;
	v19 =	vadd.s32 $0x5, v18;
	v18 =	vsub.s32 $0x7EF127EA, v16  }
0xed: {  	s18 =	simm.s32 $0x2;
	s20 =	simm.s32 $0x3;
	v20 =	vor.u32 v20, v22;
	v17 =	vxor.u32 v17, v19;
	v19 =	vmul.f32 v18, v16  }
0xee: {  	s23 =	simm.s32 $0x4;
	s21 =	simm.s32 $0x0;
	s19 =	simm.s32 $0x1;
	v22 =	vxor.u32 v20, v21;
	v20 =	vshrl.u32 v17, $0x9;
	v17 =	vmul.f32 $1.442695020e+00, v23  }
.LBB2_5:
0xef: {  	p0 =	sne.s32 s23, $0xFF;
	v22 =	vadd.s32 $0x1BD11BF1, v22;
	v20 =	vor.u32 $0x3F800000, v20;
	v19 =	vsub.f32 $2.000000000e+00, v19  }
0xf0: {  	v21 =	vadd.s32 v22, v21;
	v20 =	vadd.f32 $-1.000000000e+00, v20;
	(erf) = vpow2.f32 v17  }
0xf1: {  	v17 =	vshrl.u32 v22, $0xF;
	v22 =	vshll.u32 v22, $0x11;
	v18 =	vmul.f32 v18, v19  }
0xf2: {  	v19 =	vadd.s32 $0x2A, v21;
	v21 =	vor.u32 v17, v22;
	v17 =	vadd.f32 $1.175494350e-38, v20  }
0xf3: {  	v10 =	vsel vm0, s17, v10;
	s17 =	smov.u32 s19;
	s19 =	smov.u32 s18;
	s18 =	smov.u32 s20;
	v20 =	vxor.u32 v21, v19;
	v21 =	vmul.f32 v18, v16  }
0xf4: {  	v9 =	vsel vm0, v13, v9;
	s20 =	smov.u32 s23;
	v22 =	vshrl.u32 v20, $0x3;
	v23 =	vand.u32 $0x7FFFFF, v17  }
0xf5: {  	v13 =	vshll.u32 v20, $0x1D;
	v23 =	vor.u32 $0x3F800000, v23;
	v21 =	vsub.f32 $2.000000000e+00, v21  }
0xf6: {  	v19 =	vadd.s32 v19, v20;
	v13 =	vor.u32 v22, v13;
	v20 =	vmul.f32 $5.000000000e-01, v23  }
0xf7: {  	v13 =	vxor.u32 v13, v19;
	vm2 =	vge.f32 v23, $1.414213540e+00;
	v18 =	vmul.f32 v21, v18  }
0xf8: {  	v21 =	vshrl.u32 v13, $0x10;
	v20 =	vsel vm2, v20, v23  }
0xf9: {  	v22 =	vshll.u32 v13, $0x10;
	v23 =	vadd.f32 $1.000000000e+00, v20;
	v16 =	vmul.f32 v18, v16;
	v24 =	vpop (erf)  }
0xfa: {  	v13 =	vadd.s32 v19, v13;
	v19 =	vor.u32 v21, v22;
	v11 =	vadd.f32 v24, v11  }
0xfb: {  	v19 =	vxor.u32 v19, v13;
	v21 =	vsub.s32 $0x7EF127EA, v23;
	v16 =	vsub.f32 $2.000000000e+00, v16  }
0xfc: {  	v22 =	vshrl.u32 v19, $0x8;
	v24 =	vmul.f32 v21, v23  }
0xfd: {  	v15 =	vadd.f32 $-1.000000000e+00, v15;
	v25 =	vshll.u32 v19, $0x18;
	v16 =	vmul.f32 v16, v18  }
0xfe: {  	s22 =	sadd.s32 $0x10, s22;
	v13 =	vadd.s32 v13, v19;
	v18 =	vor.u32 v22, v25;
	v19 =	vsub.f32 $2.000000000e+00, v24  }
0xff: {  	v22 =	vadd.s32 s22, v5;
	v18 =	vxor.u32 v18, v13;
	v15 =	vmul.f32 v16, v15  }
0x100: {  	v16 =	vshrl.u32 v22, $0x13;
	v18 =	vadd.s32 $0x2, v18;
	v19 =	vmul.f32 v21, v19  }
0x101: {  	v21 =	vshll.u32 v22, $0xD;
	v13 =	vadd.s32 v18, v13;
	v24 =	vmul.f32 v15, v15  }
0x102: {  	v25 =	vshrl.u32 v18, $0x13;
	v18 =	vshll.u32 v18, $0xD;
	v26 =	vmul.f32 v19, v23  }
0x103: {  	v13 =	vadd.s32 $0x1BD11BF0, v13;
	v18 =	vor.u32 v25, v18;
	v25 =	vmul.f32 $1.111111120e-01, v24  }
0x104: {  	v16 =	vor.u32 v16, v21;
	v18 =	vxor.u32 v18, v13;
	v21 =	vsub.f32 $2.000000000e+00, v26  }
0x105: {  	v27 =	vshll.u32 v18, $0xF;
	v26 =	vshrl.u32 v18, $0x11;
	v25 =	vadd.f32 $1.428571490e-01, v25  }
0x106: {  	v13 =	vadd.s32 v13, v18;
	v18 =	vor.u32 v26, v27;
	v19 =	vmul.f32 v21, v19  }
0x107: {  	v16 =	vxor.u32 v22, v16;
	v18 =	vxor.u32 v18, v13;
	v21 =	vmul.f32 v25, v24  }
0x108: {  	v25 =	vshrl.u32 v18, $0x6;
	v26 =	vshll.u32 v18, $0x1A;
	v23 =	vmul.f32 v19, v23  }
0x109: {  	v13 =	vadd.s32 v13, v18;
	v18 =	vor.u32 v25, v26;
	v21 =	vadd.f32 $2.000000030e-01, v21  }
0x10a: {  	v22 =	vadd.s32 v22, v16;
	v18 =	vxor.u32 v18, v13;
	v23 =	vsub.f32 $2.000000000e+00, v23  }
0x10b: {  	v13 =	vadd.s32 v13, v18;
	v25 =	vshrl.u32 v18, $0x1A;
	v21 =	vmul.f32 v21, v24  }
0x10c: {  	v14 =	vshrl.u32 v14, $0x17;
	v20 =	vadd.f32 $-1.000000000e+00, v20;
	v19 =	vmul.f32 v23, v19  }
0x10d: {  	v14 =	vand.u32 $0xFF, v14;
	v23 =	vsel vm1, $0x1, v6;
	v21 =	vadd.f32 $3.333333430e-01, v21  }
0x10e: {  	v18 =	vshll.u32 v18, $0x6;
	v14 =	vadd.s32 v23, v14;
	v19 =	vmul.f32 v19, v20  }
0x10f: {  	v18 =	vor.u32 v25, v18;
	v14 =	vor.u32 $0x4B000000, v14;
	v20 =	vmul.f32 v21, v24  }
0x110: {  	v18 =	vxor.u32 v18, v13;
	v14 =	vadd.f32 $-8.388735000e+06, v14;
	v21 =	vmul.f32 v19, v19  }
0x111: {  	v15 =	vadd.f32 v15, v15;
	v18 =	vadd.s32 $0x2D, v18;
	v20 =	vadd.f32 $1.000000000e+00, v20  }
0x112: {  	v23 =	vshrl.u32 v16, $0x11;
	v24 =	vshrl.u32 v18, $0xF;
	v25 =	vmul.f32 $1.111111120e-01, v21  }
0x113: {  	s21 =	sadd.s32 $0x10, s21;
	v26 =	vshll.u32 v18, $0x11;
	v14 =	vmul.f32 $6.931471820e-01, v14;
	v15 =	vmul.f32 v20, v15  }
0x114: {  	v18 =	vadd.s32 v13, v18;
	v20 =	vor.u32 v24, v26;
	v24 =	vadd.f32 $1.428571490e-01, v25;
	v13 =	vld [tilespmem:s21+$0x0]  }
0x115: {  	v16 =	vshll.u32 v16, $0xF;
	v20 =	vxor.u32 v20, v18;
	v14 =	vadd.f32 v15, v14  }
0x116: {  	v15 =	vshrl.u32 v20, $0x3;
	v25 =	vshll.u32 v20, $0x1D;
	v24 =	vmul.f32 v24, v21  }
0x117: {  	v18 =	vadd.s32 v18, v20;
	v15 =	vor.u32 v15, v25;
	v14 =	vsub.f32 $0.0e+00, v14  }
0x118: {  	v16 =	vor.u32 v23, v16;
	v15 =	vxor.u32 v15, v18;
	v20 =	vadd.f32 $2.000000030e-01, v24  }
0x119: {  	v18 =	vadd.s32 v18, v15;
	v23 =	vshrl.u32 v15, $0x10;
	v14 =	vadd.f32 v13, v14  }
0x11a: {  	v17 =	vshrl.u32 v17, $0x17;
	v15 =	vshll.u32 v15, $0x10;
	v20 =	vmul.f32 v20, v21  }
0x11b: {  	v17 =	vand.u32 $0xFF, v17;
	v15 =	vor.u32 v23, v15;
	vm0 =	vgt.f32 v14, v12  }
0x11c: {  	v23 =	vsel vm2, $0x1, v6;
	v20 =	vadd.f32 $3.333333430e-01, v20;
	v12 =	vsel vm0, v14, v12  }
0x11d: {  	v15 =	vxor.u32 v15, v18;
	v14 =	vxor.u32 v16, v22;
	v16 =	vadd.s32 v23, v17  }
0x11e: {  	v17 =	vadd.s32 v18, v15;
	v16 =	vor.u32 $0x4B000000, v16;
	v18 =	vmul.f32 v20, v21  }
0x11f: {  	v20 =	vshrl.u32 v15, $0x8;
	v15 =	vshll.u32 v15, $0x18;
	v16 =	vadd.f32 $-8.388735000e+06, v16  }
0x120: {  	v19 =	vadd.f32 v19, v19;
	v15 =	vor.u32 v20, v15;
	v18 =	vadd.f32 $1.000000000e+00, v18  }
0x121: {  	v23 =	vsub.f32 v13, v8;
	v20 =	vadd.s32 v22, v14;
	v15 =	vxor.u32 v15, v17  }
0x122: {  	v16 =	vmul.f32 $6.931471820e-01, v16;
	v15 =	vadd.s32 $0x1BD11BF4, v15;
	v18 =	vmul.f32 v18, v19  }
0x123: {  	v17 =	vadd.s32 v15, v17;
	v19 =	vshrl.u32 v15, $0x13;
	v15 =	vshll.u32 v15, $0xD  }
0x124: {  	v17 =	vadd.s32 $0x2A, v17;
	v15 =	vor.u32 v19, v15;
	v16 =	vadd.f32 v18, v16  }
0x125: {  	v19 =	vshll.u32 v14, $0x1A;
	v18 =	vshrl.u32 v14, $0x6;
	v15 =	vxor.u32 v15, v17  }
0x126: {  	v21 =	vshrl.u32 v15, $0x11;
	v22 =	vshll.u32 v15, $0xF;
	v14 =	vsub.f32 $0.0e+00, v16  }
0x127: {  	v15 =	vadd.s32 v17, v15;
	v16 =	vor.u32 v18, v19;
	v17 =	vor.u32 v21, v22  }
0x128: {  	v18 =	vxor.u32 v16, v20;
	v16 =	vxor.u32 v17, v15;
	v17 =	vand.u32 $0x7FFFFF, v14  }
0x129: {  	v19 =	vshrl.u32 v16, $0x6;
	v21 =	vshll.u32 v16, $0x1A;
	v17 =	vor.u32 $0x3F800000, v17  }
0x12a: {  	v16 =	vadd.s32 v15, v16;
	v15 =	vor.u32 v19, v21;
	v19 =	vmul.f32 $5.000000000e-01, v17  }
0x12b: {  	v21 =	vadd.s32 v20, v18;
	v20 =	vxor.u32 v15, v16;
	vm1 =	vge.f32 v17, $1.414213540e+00  }
0x12c: {  	v22 =	vshrl.u32 v20, $0x1A;
	v24 =	vshll.u32 v20, $0x6;
	v15 =	vsel vm1, v19, v17  }
.Ltmp1:
0x12d: {  	v17 =	vadd.s32 v16, v20;
	v19 =	vor.u32 v22, v24;
	v16 =	vadd.f32 $1.000000000e+00, v15;
	(pc) =	sbr.rel @p0 .LBB2_5-.Ltmp1, $4  }
0x12e: {  	v20 =	vshrl.u32 v18, $0x1A;
	v22 =	vshll.u32 v18, $0x6;
	v18 =	vxor.u32 v19, v17  }
0x12f: {  	v17 =	vadd.s32 $0x1BD11BF0, v17;
	v19 =	vadd.s32 $0x5, v18;
	v18 =	vsub.s32 $0x7EF127EA, v16  }
0x130: {  	v20 =	vor.u32 v20, v22;
	v17 =	vxor.u32 v17, v19;
	v19 =	vmul.f32 v18, v16  }
0x131: {  	s23 =	sadd.s32 $0x1, s23;
	v22 =	vxor.u32 v20, v21;
	v20 =	vshrl.u32 v17, $0x9;
	v17 =	vmul.f32 $1.442695020e+00, v23  }
0x132: {  	v22 =	vadd.s32 $0x1BD11BF1, v22  }
0x133: {  	v21 =	vadd.s32 v22, v21;
	v23 =	vshrl.u32 v22, $0xF;
	v22 =	vshll.u32 v22, $0x11  }
0x134: {  	v21 =	vadd.s32 $0x2A, v21;
	v22 =	vor.u32 v23, v22  }
0x135: {  	v22 =	vxor.u32 v22, v21  }
0x136: {  	v39 =	vshrl.u32 v22, $0x3;
	v24 =	vshll.u32 v22, $0x1D  }
0x137: {  	v21 =	vadd.s32 v21, v22;
	v40 =	vor.u32 v39, v24  }
0x138: {  	v22 =	vxor.u32 v40, v21  }
0x139: {  	v41 =	vshrl.u32 v22, $0x10;
	v42 =	vshll.u32 v22, $0x10  }
0x13a: {  	v21 =	vadd.s32 v21, v22;
	v43 =	vor.u32 v41, v42  }
0x13b: {  	v22 =	vxor.u32 v43, v21  }
0x13c: {  	v44 =	vshrl.u32 v22, $0x8;
	v45 =	vshll.u32 v22, $0x18  }
0x13d: {  	v21 =	vadd.s32 v21, v22;
	v46 =	vor.u32 v44, v45  }
0x13e: {  	v22 =	vxor.u32 v46, v21  }
0x13f: {  	v22 =	vadd.s32 $0x2, v22  }
0x140: {  	v21 =	vadd.s32 v22, v21;
	v47 =	vshrl.u32 v22, $0x13;
	v22 =	vshll.u32 v22, $0xD  }
0x141: {  	v21 =	vadd.s32 $0x1BD11BF0, v21;
	v22 =	vor.u32 v47, v22  }
0x142: {  	v22 =	vxor.u32 v22, v21  }
0x143: {  	v48 =	vshrl.u32 v22, $0x11;
	v49 =	vshll.u32 v22, $0xF  }
0x144: {  	v21 =	vadd.s32 v21, v22;
	v50 =	vor.u32 v48, v49  }
0x145: {  	v22 =	vxor.u32 v50, v21  }
0x146: {  	v51 =	vshrl.u32 v22, $0x6;
	v52 =	vshll.u32 v22, $0x1A  }
0x147: {  	v21 =	vadd.s32 v21, v22;
	v53 =	vor.u32 v51, v52  }
0x148: {  	v22 =	vxor.u32 v53, v21  }
0x149: {  	v54 =	vshrl.u32 v22, $0x1A;
	v55 =	vshll.u32 v22, $0x6  }
0x14a: {  	v21 =	vadd.s32 v21, v22;
	v56 =	vor.u32 v54, v55  }
0x14b: {  	v22 =	vxor.u32 v56, v21  }
0x14c: {  	v22 =	vadd.s32 $0x2D, v22  }
0x14d: {  	v57 =	vshrl.u32 v22, $0xF;
	v58 =	vshll.u32 v22, $0x11  }
0x14e: {  	v21 =	vadd.s32 v21, v22;
	v59 =	vor.u32 v57, v58  }
0x14f: {  	v22 =	vxor.u32 v59, v21  }
0x150: {  	v60 =	vshrl.u32 v22, $0x3;
	v61 =	vshll.u32 v22, $0x1D  }
0x151: {  	v21 =	vadd.s32 v21, v22;
	v62 =	vor.u32 v60, v61  }
0x152: {  	v22 =	vxor.u32 v62, v21  }
0x153: {  	v63 =	vshrl.u32 v22, $0x10;
	v28 =	vshll.u32 v22, $0x10  }
0x154: {  	v21 =	vadd.s32 v21, v22;
	v29 =	vor.u32 v63, v28  }
0x155: {  	v22 =	vxor.u32 v29, v21  }
0x156: {  	v30 =	vshrl.u32 v22, $0x8;
	v31 =	vshll.u32 v22, $0x18  }
0x157: {  	v21 =	vadd.s32 v21, v22;
	v32 =	vor.u32 v30, v31  }
0x158: {  	v22 =	vxor.u32 v32, v21  }
0x159: {  	v22 =	vadd.s32 $0x1BD11BF4, v22  }
0x15a: {  	v21 =	vadd.s32 v22, v21;
	v33 =	vshrl.u32 v22, $0x13;
	v22 =	vshll.u32 v22, $0xD  }
0x15b: {  	v21 =	vadd.s32 $0x2A, v21;
	v22 =	vor.u32 v33, v22  }
0x15c: {  	v22 =	vxor.u32 v22, v21  }
0x15d: {  	v34 =	vshrl.u32 v22, $0x11;
	v35 =	vshll.u32 v22, $0xF  }
0x15e: {  	v21 =	vadd.s32 v21, v22;
	v36 =	vor.u32 v34, v35  }
0x15f: {  	v22 =	vxor.u32 v36, v21  }
0x160: {  	v37 =	vshrl.u32 v22, $0x6;
	v38 =	vshll.u32 v22, $0x1A  }
0x161: {  	v21 =	vadd.s32 v21, v22;
	v39 =	vor.u32 v37, v38  }
0x162: {  	v22 =	vxor.u32 v39, v21  }
0x163: {  	v40 =	vshrl.u32 v22, $0x1A;
	v41 =	vshll.u32 v22, $0x6  }
0x164: {  	v21 =	vadd.s32 v21, v22;
	v42 =	vor.u32 v40, v41  }
0x165: {  	v22 =	vxor.u32 v42, v21  }
0x166: {  	v20 =	vor.u32 $0x3F800000, v20;
	v21 =	vadd.s32 $0x1BD11BF0, v21;
	v22 =	vadd.s32 $0x5, v22  }
0x167: {  	v20 =	vadd.f32 $-1.000000000e+00, v20;
	v21 =	vxor.u32 v21, v22  }
0x168: {  	v21 =	vshrl.u32 v21, $0x9  }
0x169: {  	v20 =	vadd.f32 $1.175494350e-38, v20;
	v21 =	vor.u32 $0x3F800000, v21  }
0x16a: {  	v21 =	vadd.f32 $-1.000000000e+00, v21  }
0x16b: {  	v43 =	vand.u32 $0x7FFFFF, v20  }
0x16c: {  	v22 =	vor.u32 $0x3F800000, v43;
	v21 =	vadd.f32 $1.175494350e-38, v21  }
0x16d: {  	v44 =	vmul.f32 $5.000000000e-01, v22  }
0x16e: {  	vm3 =	vge.f32 v22, $1.414213540e+00;
	v45 =	vand.u32 $0x7FFFFF, v21  }
0x16f: {  	v22 =	vsel vm3, v44, v22;
	v24 =	vor.u32 $0x3F800000, v45  }
0x170: {  	v23 =	vadd.f32 $1.000000000e+00, v22;
	v26 =	vmul.f32 $5.000000000e-01, v24  }
0x171: {  	vm2 =	vge.f32 v24, $1.414213540e+00  }
0x172: {  	v25 =	vsub.s32 $0x7EF127EA, v23;
	v24 =	vsel vm2, v26, v24  }
0x173: {  	v27 =	vmul.f32 v25, v23;
	v47 =	vadd.f32 $1.000000000e+00, v24;
	_ =	sdelay $0x1  }
0x174: {  	v46 =	vsub.f32 $2.000000000e+00, v27;
	v48 =	vsub.s32 $0x7EF127EA, v47  }
0x175: {  	v28 =	vmul.f32 v48, v47  }
0x176: {  	v25 =	vmul.f32 v25, v46  }
0x177: {  	v28 =	vsub.f32 $2.000000000e+00, v28  }
0x178: {  	v29 =	vmul.f32 v25, v23  }
0x179: {  	v26 =	vmul.f32 v48, v28  }
0x17a: {  	v29 =	vsub.f32 $2.000000000e+00, v29  }
0x17b: {  	v28 =	vmul.f32 v26, v47  }
0x17c: {  	v25 =	vmul.f32 v29, v25  }
0x17d: {  	v28 =	vsub.f32 $2.000000000e+00, v28  }
0x17e: {  	v23 =	vmul.f32 v25, v23  }
0x17f: {  	v26 =	vmul.f32 v28, v26  }
0x180: {  	v23 =	vsub.f32 $2.000000000e+00, v23  }
0x181: {  	v49 =	vmul.f32 v26, v47  }
0x182: {  	v22 =	vadd.f32 $-1.000000000e+00, v22;
	v23 =	vmul.f32 v23, v25  }
0x183: {  	v50 =	vsub.f32 $2.000000000e+00, v49  }
0x184: {  	v22 =	vmul.f32 v23, v22  }
0x185: {  	v24 =	vadd.f32 $-1.000000000e+00, v24;
	v23 =	vmul.f32 v50, v26  }
0x186: {  	v51 =	vmul.f32 v22, v22  }
0x187: {  	v23 =	vmul.f32 v23, v24  }
0x188: {  	v52 =	vmul.f32 $1.111111120e-01, v51  }
0x189: {  	v54 =	vmul.f32 v23, v23  }
0x18a: {  	v53 =	vadd.f32 $1.428571490e-01, v52  }
0x18b: {  	v55 =	vmul.f32 $1.111111120e-01, v54  }
0x18c: {  	v24 =	vmul.f32 v53, v51  }
0x18d: {  	v27 =	vadd.f32 $1.428571490e-01, v55  }
0x18e: {  	v24 =	vadd.f32 $2.000000030e-01, v24  }
0x18f: {  	v27 =	vmul.f32 v27, v54  }
0x190: {  	v20 =	vshrl.u32 v20, $0x17;
	v24 =	vmul.f32 v24, v51  }
0x191: {  	v20 =	vand.u32 $0xFF, v20;
	v56 =	vsel vm3, $0x1, v6;
	v27 =	vadd.f32 $2.000000030e-01, v27  }
0x192: {  	v20 =	vadd.s32 v56, v20;
	v24 =	vadd.f32 $3.333333430e-01, v24  }
0x193: {  	v20 =	vor.u32 $0x4B000000, v20;
	v57 =	vmul.f32 v27, v54  }
0x194: {  	v20 =	vadd.f32 $-8.388735000e+06, v20;
	v21 =	vshrl.u32 v21, $0x17;
	v24 =	vmul.f32 v24, v51  }
0x195: {  	v21 =	vand.u32 $0xFF, v21;
	v58 =	vsel vm2, $0x1, v6;
	v25 =	vadd.f32 $3.333333430e-01, v57  }
0x196: {  	v21 =	vadd.s32 v58, v21;
	v22 =	vadd.f32 v22, v22;
	v24 =	vadd.f32 $1.000000000e+00, v24  }
0x197: {  	v21 =	vor.u32 $0x4B000000, v21;
	v59 =	vmul.f32 v25, v54  }
0x198: {  	v20 =	vmul.f32 $6.931471820e-01, v20;
	v21 =	vadd.f32 $-8.388735000e+06, v21;
	v22 =	vmul.f32 v24, v22  }
0x199: {  	v23 =	vadd.f32 v23, v23;
	v60 =	vadd.f32 $1.000000000e+00, v59  }
0x19a: {  	v20 =	vadd.f32 v22, v20  }
0x19b: {  	v21 =	vmul.f32 $6.931471820e-01, v21;
	v22 =	vmul.f32 v60, v23  }
0x19c: {  	v20 =	vsub.f32 $0.0e+00, v20  }
0x19d: {  	v19 =	vsub.f32 $2.000000000e+00, v19;
	v21 =	vadd.f32 v22, v21  }
0x19e: {  	v61 =	vand.u32 $0x7FFFFF, v20  }
0x19f: {  	v18 =	vmul.f32 v18, v19;
	v23 =	vor.u32 $0x3F800000, v61;
	v21 =	vsub.f32 $0.0e+00, v21  }
0x1a0: {  	v62 =	vmul.f32 $5.000000000e-01, v23  }
0x1a1: {  	v32 =	vmul.f32 v18, v16;
	vm9 =	vge.f32 v23, $1.414213540e+00;
	v31 =	vand.u32 $0x7FFFFF, v21  }
0x1a2: {  	v63 =	vsel vm9, v62, v23;
	v23 =	vor.u32 $0x3F800000, v31  }
0x1a3: {  	v24 =	vsub.f32 $2.000000000e+00, v32;
	v22 =	vadd.f32 $1.000000000e+00, v63;
	v34 =	vmul.f32 $5.000000000e-01, v23  }
0x1a4: {  	vm10 =	vge.f32 v23, $1.414213540e+00  }
0x1a5: {  	v24 =	vmul.f32 v24, v18;
	v33 =	vsub.s32 $0x7EF127EA, v22;
	v23 =	vsel vm10, v34, v23  }
0x1a6: {  	v35 =	vmul.f32 v33, v22;
	v26 =	vadd.f32 $1.000000000e+00, v23  }
0x1a7: {  	s21 =	sadd.s32 $0x10, s21;
	v37 =	vmul.f32 v24, v16  }
0x1a8: {  	v16 =	vld [tilespmem:s21+$0x0];
	v36 =	vsub.f32 $2.000000000e+00, v35;
	v38 =	vsub.s32 $0x7EF127EA, v26  }
0x1a9: {  	v40 =	vsub.f32 $2.000000000e+00, v37;
	v39 =	vmul.f32 v38, v26  }
0x1aa: {  	s21 =	sadd.s32 $0x10, s21;
	v25 =	vmul.f32 v33, v36  }
0x1ab: {  	v15 =	vadd.f32 $-1.000000000e+00, v15;
	v18 =	vld [tilespmem:s21+$0x0];
	v24 =	vmul.f32 v40, v24;
	v28 =	vsub.f32 $2.000000000e+00, v39  }
0x1ac: {  	s21 =	sadd.s32 $0x10, s21;
	v30 =	vmul.f32 v25, v22  }
0x1ad: {  	v42 =	vsub.f32 v16, v8;
	v24 =	vmul.f32 v24, v15;
	v15 =	vld [tilespmem:s21+$0x0];
	v27 =	vmul.f32 v38, v28  }
0x1ae: {  	(erf) = vpow2.f32 v17;
	v41 =	vsub.f32 $2.000000000e+00, v30  }
0x1af: {  	v17 =	vmul.f32 $1.442695020e+00, v42;
	v28 =	vmul.f32 v27, v26  }
0x1b0: {  	v44 =	vsub.f32 v18, v8;
	v25 =	vmul.f32 v41, v25  }
0x1b1: {  	v43 =	vmul.f32 v24, v24;
	(erf) = vpow2.f32 v17;
	v28 =	vsub.f32 $2.000000000e+00, v28  }
0x1b2: {  	v46 =	vsub.f32 v15, v8;
	v30 =	vmul.f32 $1.442695020e+00, v44;
	v22 =	vmul.f32 v25, v22  }
0x1b3: {  	v31 =	vmul.f32 $1.111111120e-01, v43;
	v45 =	vmul.f32 v28, v27  }
0x1b4: {  	(erf) = vpow2.f32 v30;
	v22 =	vsub.f32 $2.000000000e+00, v22;
	v27 =	vmul.f32 $1.442695020e+00, v46  }
0x1b5: {  	v47 =	vadd.f32 $1.428571490e-01, v31;
	v26 =	vmul.f32 v45, v26  }
0x1b6: {  	v19 =	vadd.f32 $-1.000000000e+00, v63;
	v22 =	vmul.f32 v22, v25;
	(erf) = vpow2.f32 v27  }
0x1b7: {  	v14 =	vshrl.u32 v14, $0x17;
	v25 =	vmul.f32 v47, v43;
	v48 =	vsub.f32 $2.000000000e+00, v26  }
0x1b8: {  	v14 =	vand.u32 $0xFF, v14;
	v19 =	vmul.f32 v22, v19  }
0x1b9: {  	v49 =	vpop (erf);
	v23 =	vadd.f32 $-1.000000000e+00, v23;
	v25 =	vadd.f32 $2.000000030e-01, v25;
	v17 =	vmul.f32 v48, v45  }
0x1ba: {  	v11 =	vadd.f32 v49, v11;
	v53 =	vsel vm1, $0x1, v6;
	v50 =	vmul.f32 v19, v19  }
0x1bb: {  	v14 =	vadd.s32 v53, v14;
	v52 =	vpop (erf);
	v25 =	vmul.f32 v25, v43;
	v17 =	vmul.f32 v17, v23  }
0x1bc: {  	v14 =	vor.u32 $0x4B000000, v14;
	v20 =	vshrl.u32 v20, $0x17;
	v11 =	vadd.f32 v52, v11  }
0x1bd: {  	v55 =	vpop (erf);
	v51 =	vmul.f32 $1.111111120e-01, v50;
	v25 =	vadd.f32 $3.333333430e-01, v25;
	v56 =	vmul.f32 v17, v17  }
0x1be: {  	v14 =	vadd.f32 $-8.388735000e+06, v14;
	v20 =	vand.u32 $0xFF, v20;
	v11 =	vadd.f32 v55, v11  }
0x1bf: {  	v54 =	vadd.f32 $1.428571490e-01, v51;
	v25 =	vmul.f32 v25, v43;
	v58 =	vpop (erf);
	v57 =	vmul.f32 $1.111111120e-01, v56  }
0x1c0: {  	v62 =	vsel vm9, $0x1, v6;
	v24 =	vadd.f32 v24, v24;
	v11 =	vadd.f32 v58, v11  }
0x1c1: {  	v23 =	vmul.f32 v54, v50;
	v25 =	vadd.f32 $1.000000000e+00, v25;
	v59 =	vadd.f32 $1.428571490e-01, v57  }
0x1c2: {  	v14 =	vmul.f32 $6.931471820e-01, v14;
	v20 =	vadd.s32 v62, v20;
	v60 =	vperm.xlane v11, v0  }
0x1c3: {  	v23 =	vadd.f32 $2.000000030e-01, v23;
	v24 =	vmul.f32 v25, v24;
	v61 =	vmul.f32 v59, v56  }
0x1c4: {  	v63 =	vand.u32 $0xF, v1;
	v21 =	vshrl.u32 v21, $0x17;
	v11 =	vadd.f32 v60, v11  }
0x1c5: {  	v23 =	vmul.f32 v23, v50;
	v14 =	vadd.f32 v24, v14;
	v24 =	vadd.f32 $2.000000030e-01, v61  }
0x1c6: {  	v20 =	vor.u32 $0x4B000000, v20;
	v21 =	vand.u32 $0xFF, v21;
	v28 =	vperm.xlane v11, v63  }
0x1c7: {  	v29 =	vsel vm10, $0x1, v6;
	v23 =	vadd.f32 $3.333333430e-01, v23;
	v24 =	vmul.f32 v24, v56  }
0x1c8: {  	v20 =	vadd.f32 $-8.388735000e+06, v20;
	v21 =	vadd.s32 v29, v21;
	v11 =	vadd.f32 v28, v11  }
0x1c9: {  	v30 =	vand.u32 $0xF, v2;
	v22 =	vmul.f32 v23, v50;
	v24 =	vadd.f32 $3.333333430e-01, v24  }
0x1ca: {  	v20 =	vmul.f32 $6.931471820e-01, v20;
	v21 =	vor.u32 $0x4B000000, v21;
	v31 =	vperm.xlane v11, v30  }
0x1cb: {  	v19 =	vadd.f32 v19, v19;
	v22 =	vadd.f32 $1.000000000e+00, v22;
	v24 =	vmul.f32 v24, v56  }
0x1cc: {  	v33 =	vand.u32 $0xF, v4;
	v21 =	vadd.f32 $-8.388735000e+06, v21;
	v11 =	vadd.f32 v31, v11  }
0x1cd: {  	v17 =	vadd.f32 v17, v17;
	v19 =	vmul.f32 v22, v19;
	v32 =	vadd.f32 $1.000000000e+00, v24  }
0x1ce: {  	v14 =	vsub.f32 $0.0e+00, v14;
	v34 =	vperm.xlane v11, v33  }
0x1cf: {  	v35 =	vmul.f32 $6.931471820e-01, v21;
	v19 =	vadd.f32 v19, v20;
	v17 =	vmul.f32 v32, v17  }
0x1d0: {  	v14 =	vadd.f32 v16, v14;
	v11 =	vadd.f32 v34, v11  }
0x1d1: {  	v19 =	vsub.f32 $0.0e+00, v19;
	v17 =	vadd.f32 v17, v35  }
0x1d2: {  	vm11 =	vgt.f32 v14, v12;
	v36 =	vand.u32 $0x7FFFFF, v11  }
0x1d3: {  	v19 =	vadd.f32 v18, v19;
	v20 =	vor.u32 $0x3F800000, v36;
	v17 =	vsub.f32 $0.0e+00, v17  }
0x1d4: {  	v12 =	vsel vm11, v14, v12;
	v37 =	vmul.f32 $5.000000000e-01, v20  }
0x1d5: {  	vm12 =	vgt.f32 v19, v12;
	vm13 =	vge.f32 v20, $1.414213540e+00;
	v17 =	vadd.f32 v15, v17  }
0x1d6: {  	v12 =	vsel vm12, v19, v12;
	v14 =	vsel vm13, v37, v20  }
0x1d7: {  	v38 =	vadd.f32 $1.000000000e+00, v14;
	vm4 =	vgt.f32 v17, v12  }
0x1d8: {  	v12 =	vsel vm4, v17, v12  }
0x1d9: {  	v39 =	vsub.s32 $0x7EF127EA, v38;
	v40 =	vperm.xlane v12, v0  }
0x1da: {  	v41 =	vmul.f32 v39, v38  }
0x1db: {  	v20 =	vmax.f32 v12, v40  }
0x1dc: {  	v21 =	vsub.f32 $2.000000000e+00, v41;
	v42 =	vperm.xlane v20, v63;
	_ =	sdelay $0x1  }
0x1dd: {  	v17 =	vmul.f32 v39, v21;
	v20 =	vmax.f32 v20, v42  }
0x1de: {  	v43 =	vperm.xlane v20, v30  }
0x1df: {  	v10 =	vsel vm0, s17, v10;
	v44 =	vmul.f32 v17, v38  }
0x1e0: {  	v10 =	vsel vm11, s19, v10;
	v20 =	vmax.f32 v20, v43  }
0x1e1: {  	v10 =	vsel vm12, s18, v10;
	v45 =	vsub.f32 $2.000000000e+00, v44;
	v46 =	vperm.xlane v20, v33  }
0x1e2: {  	v10 =	vsel vm4, s20, v10  }
0x1e3: {  	v10 =	vshll.u32 v10, $0x4;
	v17 =	vmul.f32 v45, v17;
	v20 =	vmax.f32 v20, v46  }
0x1e4: {  	v10 =	vor.u32 v3, v10;
	vm5 =	veq.f32 v12, v20  }
0x1e5: {  	v47 =	vmul.f32 v17, v38;
	v48 =	vnsel vm5, $0x40000000, v10  }
0x1e6: {  	v49 =	vperm.xlane v48, v0  }
0x1e7: {  	v12 =	vsub.f32 $2.000000000e+00, v47  }
0x1e8: {  	vm6 =	vlt.s32 v48, v49  }
0x1e9: {  	v14 =	vadd.f32 $-1.000000000e+00, v14;
	v12 =	vmul.f32 v12, v17;
	v50 =	vsel vm6, v48, v49  }
0x1ea: {  	v19 =	vperm.xlane v50, v63  }
0x1eb: {  	v12 =	vmul.f32 v12, v14  }
0x1ec: {  	vm6 =	vlt.s32 v50, v19  }
0x1ed: {  	v14 =	vmul.f32 v12, v12;
	v17 =	vsel vm6, v50, v19  }
0x1ee: {  	v19 =	vperm.xlane v17, v30  }
0x1ef: {  	v51 =	vmul.f32 $1.111111120e-01, v14  }
0x1f0: {  	vm6 =	vlt.s32 v17, v19  }
0x1f1: {  	v52 =	vadd.f32 $1.428571490e-01, v51;
	v17 =	vsel vm6, v17, v19  }
0x1f2: {  	v53 =	vperm.xlane v17, v33  }
0x1f3: {  	v54 =	vmul.f32 v52, v14  }
0x1f4: {  	v9 =	vsel vm0, v13, v9;
	vm14 =	vlt.s32 v17, v53  }
0x1f5: {  	v9 =	vsel vm11, v16, v9;
	v13 =	vadd.f32 $2.000000030e-01, v54;
	v55 =	vsel vm14, v17, v53  }
0x1f6: {  	v9 =	vsel vm12, v18, v9;
	vm0 =	veq.s32 v10, v55  }
0x1f7: {  	v9 =	vsel vm4, v15, v9;
	v57 =	vmul.f32 v13, v14;
	vm0 =	vmand vm5, vm0  }
0x1f8: {  	v56 =	vshrl.u32 v11, $0x17;
	v58 =	vsel vm13, $0x1, v6;
	v9 =	vnsel vm0, $0xFF800000, v9  }
0x1f9: {  	v10 =	vand.u32 $0xFF, v56;
	v11 =	vadd.f32 $3.333333430e-01, v57;
	v59 =	vperm.xlane v9, v0  }
0x1fa: {  	v10 =	vadd.s32 v58, v10  }
0x1fb: {  	v10 =	vor.u32 $0x4B000000, v10;
	v11 =	vmul.f32 v11, v14;
	v9 =	vmax.f32 v9, v59  }
0x1fc: {  	v10 =	vadd.f32 $-8.388735000e+06, v10;
	v60 =	vperm.xlane v9, v63  }
0x1fd: {  	v12 =	vadd.f32 v12, v12;
	v11 =	vadd.f32 $1.000000000e+00, v11  }
0x1fe: {  	v10 =	vmul.f32 $6.931471820e-01, v10;
	v9 =	vmax.f32 v9, v60  }
0x1ff: {  	v11 =	vmul.f32 v11, v12;
	v61 =	vperm.xlane v9, v30;
	_ =	sdelay $0x1  }
0x200: {  	v10 =	vadd.f32 v11, v10;
	v9 =	vmax.f32 v9, v61  }
0x201: {  	s30 =	sand.u32 $0xF, s16;
	s31 =	sand.u32 $0x70, s16;
	s16 =	sadd.s32 $0x1, s16;
	v62 =	vperm.xlane v9, v33  }
0x202: {  	p0 =	sne.s32 s16, $0x60;
	v8 =	vadd.f32 v10, v8  }
.Ltmp2:
0x203: {  	v9 =	vmax.f32 v9, v62;
	(pc) =	sbr.rel @p0 .LBB2_2-.Ltmp2, $4  }
0x204: {  	v63 =	vmov s30;
	v8 =	vsub.f32 v9, v8  }
0x205: {  	vm15 =	veq.s32 v63, v3  }
0x206: {  	v7 =	vsel vm15, v8, v7  }
0x207: {  	s15 =	sadd.s32 $0x1000, s15;
	[tilespmem:s31+$0x2000] =	vst v7  }
0x208: {  	s14 =	sadd.s32 $0x1, s14  }
0x209: {  	p0 =	sne.s32 s14, s7  }
.Ltmp3:
0x20a: {  	_ = 	snop;
	(pc) =	sbr.rel @p0 .LBB2_1-.Ltmp3, $4  }
0x20b: {  	[hbm4b:s6+s4] =	stream.linear.scatter [tilespmem:s13], [sflag:$0x1], $0x60, $0x38;
	[tilespmem:$0x2080] =	vst v63  }
0x20c: {  	_ =	swait.ge [sflag:s11], $0x60  }
0x20d: {  	[sflag:s11] =	ssyncset.done $0x0  }
0x20e: {  	[sflag:s11] =	ssyncadd.s32 $0xFFFFFFA0  }
0x20f: {  	_ =	sfence.sel $0x180000  }
0x210: {  	[bflag:$0x0] =	sbarrier.arrive $0xFFFF  }
0x211: {  	p0 =	sne.s32 s0, $0x0;
	_ =	strace $0x90000047  }
0x212: {  	s0 =	sadd.s32 @!p0 $0x100000, s2;
	[bflag:$0x2] =	sbarrier.arrive $0xFFFF  }
0x213: {  	[sflag:s0] =	ssyncadd.tile.s32 @!p0 $0x1;
	_ =	shalt  }
.Lfunc_end2:
_tile_overlayer_lowered:
.L_overlay_start_2:
0x214: {  	(tag) =	ssettag $0x2  }
0x215: {  	s0 =	rddreg [dreg:$0x0];
	s2 =	stileid.u32  }
0x216: {  	s1 =	rddreg [dreg:$0x1];
	p0 =	sne.s32 s2, $0x0  }
0x217: {  	s3 =	rddreg [dreg:$0x2];
	[bflag:$0x3] =	sbarrier.arrive $0xFFFF;
	s2 =	simm.s32 @!p0 $0x1C01  }
0x218: {  	[timem:s3], [sflag:s2] =	dma.local @!p0 [hbm:s0], s1  }
0x219: {  	s0 =	simm.s32 @!p0 $0x1  }
0x21a: {  	_ =	swait.ge @!p0 [sflag:s0], s1  }
0x21b: {  	s1 =	ssub.s32 @!p0 $0x0, s1;
	[sflag:s0] =	ssyncset.done @!p0 $0x0  }
0x21c: {  	[sflag:s0] =	ssyncadd.s32 @!p0 s1  }
0x21d: {  	[bflag:$0x3] =	sbarrier.arrive $0xFFFF  }
0x21e: {  	_ =	shalt  }

</sc_bundles>
